<compile_context>
chip_gen: v7x
topology: tpu7x:2x2x1
jax: 0.10.2.dev20260603
libtpu: 0.0.44.dev20260713+nightly
codegen_flags: <defaults>
</compile_context>

<pallas_src>
import functools

import jax
import jax.numpy as jnp
from jax import lax
from jax.experimental import pallas as pl
from jax.experimental.pallas import tpu as pltpu
from jax.experimental.pallas import tpu_sc as plsc

VOCAB = 100000
EMBED = 32
SLAB = 8
NSLAB = VOCAB // SLAB
BATCH = 1024


_info = plsc.get_sparse_core_info()
_NC, _NS = _info.num_cores, _info.num_subcores
_NW = _NC * _NS
_B_PER_W = BATCH // _NW


def _make_sc_gather():
  mesh = plsc.VectorSubcoreMesh(core_axis_name="c", subcore_axis_name="s")

  @functools.partial(
      pl.kernel,
      mesh=mesh,
      compiler_params=pltpu.CompilerParams(use_tc_tiling_on_sc=True),
      out_type=jax.ShapeDtypeStruct((BATCH, SLAB, EMBED), jnp.float32),
      scratch_types=[
          pltpu.VMEM((_B_PER_W,), jnp.float32),
          pltpu.VMEM((_B_PER_W, SLAB, EMBED), jnp.float32),
          pltpu.SemaphoreType.DMA,
      ],
  )
  def gather_kernel(table_hbm, idx_hbm, out_hbm, idx_v, slabs_v, sem):
    wid = lax.axis_index("s") * _NC + lax.axis_index("c")
    base = wid * _B_PER_W
    pltpu.sync_copy(idx_hbm.at[pl.ds(base, _B_PER_W)], idx_v)
    copies = []
    for k in range(_B_PER_W // 16):
      iv = lax.bitcast_convert_type(idx_v[pl.ds(16 * k, 16)], jnp.int32)
      tv = lax.shift_right_logical(iv, 3)
      for j in range(16):
        i = 16 * k + j
        copies.append(
            pltpu.async_copy(
                table_hbm.at[pl.ds(tv[j], 1)],
                slabs_v.at[pl.ds(i, 1)],
                sem,
            )
        )
    for c in copies:
      c.wait()
    pltpu.sync_copy(slabs_v, out_hbm.at[pl.ds(base, _B_PER_W)])

  return gather_kernel


_sc_gather = _make_sc_gather()


_VT = 2048


def _proj_body(x_ref, h8_ref, w_ref, b_ref, out_ref, ht_scr):
  @pl.when(pl.program_id(0) == 0)
  def _():
    sub = lax.rem(x_ref[...], jnp.int32(SLAB))
    onehot = (
        sub[:, None, None] == lax.broadcasted_iota(jnp.int32, (1, SLAB, 1), 1)
    ).astype(jnp.float32)
    h = jnp.sum(h8_ref[...] * onehot, axis=1)
    ht_scr[...] = h.T

  acc = lax.dot_general(
      w_ref[...],
      ht_scr[...],
      dimension_numbers=(((0,), (0,)), ((), ())),
      preferred_element_type=jnp.float32,
  )
  bias = b_ref[...].reshape(1, _VT).T
  out_ref[...] = acc + bias


def _projection(x, h8, W, b):
  grid = (pl.cdiv(VOCAB, _VT),)
  out_t = pl.pallas_call(
      _proj_body,
      grid=grid,
      in_specs=[
          pl.BlockSpec((BATCH,), lambda j: (0,)),
          pl.BlockSpec((BATCH, SLAB, EMBED), lambda j: (0, 0, 0)),
          pl.BlockSpec((EMBED, _VT), lambda j: (0, j)),
          pl.BlockSpec((_VT,), lambda j: (j,)),
      ],
      out_specs=pl.BlockSpec((_VT, BATCH), lambda j: (j, 0)),
      out_shape=jax.ShapeDtypeStruct((VOCAB, BATCH), jnp.float32),
      scratch_shapes=[pltpu.VMEM((EMBED, BATCH), jnp.float32)],
  )(x, h8, W, b)
  return out_t.T


def kernel(x, emb_table, W, b):
  xi = x.astype(jnp.int32)
  xf = lax.bitcast_convert_type(xi, jnp.float32)
  table_slabs = emb_table.reshape(NSLAB, SLAB, EMBED)
  h8 = _sc_gather(table_slabs, xf)
  return _projection(xi, h8, W, b)

# --- scband reference (transcript-rebuilt; emitter-appended) ---
"""Pipeline reference for scband-model-25615184954113 (READ-ONLY COPY).

The authoritative reference and input builder live on the scoring server;
editing this copy changes nothing except your own understanding.
"""

import jax, jax.numpy as jnp
import numpy as np

VOCAB = 100000
EMBED = 32
BATCH = 1024

def setup_inputs(seed: int = 0) -> dict:
    key = jax.random.key(seed)
    k1, k2, k3, k4 = jax.random.split(key, 4)
    x = jax.random.randint(k1, (BATCH,), 0, VOCAB, dtype=jnp.int64 if jax.config.jax_enable_x64 else jnp.int32)
    emb_table = jax.random.normal(k2, (VOCAB, EMBED), dtype=jnp.float32) * 0.05
    W = jax.random.normal(k3, (EMBED, VOCAB), dtype=jnp.float32) * (1.0 / np.sqrt(EMBED))
    b = jnp.zeros((VOCAB,), dtype=jnp.float32)
    return {"x": x, "emb_table": emb_table, "W": W, "b": b}

def reference(x, emb_table, W, b):
    # Embedding lookup (gather) followed by dense projection back to vocab logits
    h = jnp.take(emb_table, x, axis=0)        # [B, EMBED]
    out = jnp.dot(h, W) + b                   # [B, VOCAB]
    return out

if __name__ == "__main__":
    import jax
    _d = setup_inputs()
    print(jax.jit(kernel)(*tuple(_d.values())))

</pallas_src>

<mosaic_0001>
#map = affine_map<(d0, d1) -> (0, 0, 0)>
#map1 = affine_map<(d0, d1) -> (0)>
module attributes {stable_mosaic.version = 14 : i64} {
  func.func @gather_kernel(%arg0: i32, %arg1: i32, %arg2: memref<12500x8x32xf32, #tpu.memory_space<hbm>>, %arg3: memref<1024xf32, #tpu.memory_space<hbm>>, %arg4: memref<1024x8x32xf32, #tpu.memory_space<hbm>>, %arg5: memref<32xf32, #tpu.memory_space<vmem>>, %arg6: memref<32x8x32xf32, #tpu.memory_space<vmem>>, %arg7: memref<!tpu.dma_semaphore, #tpu.memory_space<semaphore_mem>>) attributes {dimension_semantics = [#tpu.dimension_semantics<core_parallel>, #tpu.dimension_semantics<subcore_parallel>], iteration_bounds = array<i64: 2, 16>, scalar_prefetch = 0 : i64, scratch_operands = 3 : i64, tpu.core_type = #tpu.core_type<sc_vector_subcore>, window_params = [{transform_indices = #map}, {transform_indices = #map1}, {transform_indices = #map}]} {
    %mul3A = arith.constant 2 : i32
    %mul3A_0 = arith.muli %arg1, %mul3A : i32
    %add3A = arith.addi %mul3A_0, %arg0 : i32
    %mul3A_1 = arith.constant 32 : i32
    %mul3A_2 = arith.muli %add3A, %mul3A_1 : i32
    "tpu.region"() ({
      %run_scoped3A = tpu.sem_alloc : memref<!tpu.dma_semaphore, #tpu.memory_space<semaphore_mem>>
      %dma_start3A_970 = tpu.memref_slice %arg3[%mul3A_2] : memref<1024xf32, #tpu.memory_space<hbm>> -> memref<32xf32, #tpu.memory_space<hbm>>
      %dma_start3A_971 = tpu.memref_slice %arg3[%mul3A_2] : memref<1024xf32, #tpu.memory_space<hbm>> -> memref<32xf32, #tpu.memory_space<hbm>>
      tpu.enqueue_dma source(%dma_start3A_971 : memref<32xf32, #tpu.memory_space<hbm>>) target(%arg5 : memref<32xf32, #tpu.memory_space<vmem>>) target_semaphore(%run_scoped3A : memref<!tpu.dma_semaphore, #tpu.memory_space<semaphore_mem>>)
      %dma_wait3A_972 = tpu.memref_slice %arg3[%mul3A_2] : memref<1024xf32, #tpu.memory_space<hbm>> -> memref<32xf32, #tpu.memory_space<hbm>>
      %dma_wait3A_973 = tpu.memref_slice %arg3[%mul3A_2] : memref<1024xf32, #tpu.memory_space<hbm>> -> memref<32xf32, #tpu.memory_space<hbm>>
      tpu.wait_dma2 semaphore(%run_scoped3A : memref<!tpu.dma_semaphore, #tpu.memory_space<semaphore_mem>>) src(%dma_wait3A_973 : memref<32xf32, #tpu.memory_space<hbm>>) dst(%arg5 : memref<32xf32, #tpu.memory_space<vmem>>)
      tpu.yield
    }) : () -> ()
    %get3A = arith.constant 0 : index
    %get3A_3 = tpu.vector_load %arg5[%get3A] {strides = array<i32>} : memref<32xf32, #tpu.memory_space<vmem>>, vector<16xf32>,
    %get3A_4 = vector.shape_cast %get3A_3 : vector<16xf32> to vector<16xf32>
    %bitcast_convert_type3A = tpu.bitcast %get3A_4 : vector<16xf32> -> vector<16xi32>
    %shift_right_logical3A = arith.constant 3 : i32
    %shift_right_logical3A_5 = vector.broadcast %shift_right_logical3A : i32 to vector<16xi32>
    %shift_right_logical3A_6 = arith.shrui %bitcast_convert_type3A, %shift_right_logical3A_5 : vector<16xi32>
    %slice3A = vector.extract_strided_slice %shift_right_logical3A_6 {offsets = [0], sizes = [1], strides = [1]} : vector<16xi32> to vector<1xi32>
    %squeeze3A = vector.extract %slice3A[0] : i32 from vector<1xi32>
    %dma_start3A = arith.constant 0 : i32
    %dma_start3A_7 = arith.constant 0 : i32
    %dma_start3A_8 = arith.constant 0 : i32
    %dma_start3A_9 = tpu.memref_slice %arg6[%dma_start3A, %dma_start3A_7, %dma_start3A_8] : memref<32x8x32xf32, #tpu.memory_space<vmem>> -> memref<1x8x32xf32, #tpu.memory_space<vmem>>
    %dma_start3A_10 = arith.constant 0 : i32
    %dma_start3A_11 = arith.constant 0 : i32
    %dma_start3A_12 = tpu.memref_slice %arg2[%squeeze3A, %dma_start3A_10, %dma_start3A_11] : memref<12500x8x32xf32, #tpu.memory_space<hbm>> -> memref<1x8x32xf32, #tpu.memory_space<hbm>>
    %dma_start3A_13 = arith.constant 0 : i32
    %dma_start3A_14 = arith.constant 0 : i32
    %dma_start3A_15 = arith.constant 0 : i32
    %dma_start3A_16 = tpu.memref_slice %arg6[%dma_start3A_13, %dma_start3A_14, %dma_start3A_15] : memref<32x8x32xf32, #tpu.memory_space<vmem>> -> memref<1x8x32xf32, #tpu.memory_space<vmem>>
    %dma_start3A_17 = arith.constant 0 : i32
    %dma_start3A_18 = arith.constant 0 : i32
    %dma_start3A_19 = tpu.memref_slice %arg2[%squeeze3A, %dma_start3A_17, %dma_start3A_18] : memref<12500x8x32xf32, #tpu.memory_space<hbm>> -> memref<1x8x32xf32, #tpu.memory_space<hbm>>
    tpu.enqueue_dma source(%dma_start3A_19 : memref<1x8x32xf32, #tpu.memory_space<hbm>>) target(%dma_start3A_16 : memref<1x8x32xf32, #tpu.memory_space<vmem>>) target_semaphore(%arg7 : memref<!tpu.dma_semaphore, #tpu.memory_space<semaphore_mem>>)
    %slice3A_20 = vector.extract_strided_slice %shift_right_logical3A_6 {offsets = [1], sizes = [1], strides = [1]} : vector<16xi32> to vector<1xi32>
    %squeeze3A_21 = vector.extract %slice3A_20[0] : i32 from vector<1xi32>
    %dma_start3A_22 = arith.constant 1 : i32
    %dma_start3A_23 = arith.constant 0 : i32
    %dma_start3A_24 = arith.constant 0 : i32
    %dma_start3A_25 = tpu.memref_slice %arg6[%dma_start3A_22, %dma_start3A_23, %dma_start3A_24] : memref<32x8x32xf32, #tpu.memory_space<vmem>> -> memref<1x8x32xf32, #tpu.memory_space<vmem>>
    %dma_start3A_26 = arith.constant 0 : i32
    %dma_start3A_27 = arith.constant 0 : i32
    %dma_start3A_28 = tpu.memref_slice %arg2[%squeeze3A_21, %dma_start3A_26, %dma_start3A_27] : memref<12500x8x32xf32, #tpu.memory_space<hbm>> -> memref<1x8x32xf32, #tpu.memory_space<hbm>>
    %dma_start3A_29 = arith.constant 1 : i32
    %dma_start3A_30 = arith.constant 0 : i32
    %dma_start3A_31 = arith.constant 0 : i32
    %dma_start3A_32 = tpu.memref_slice %arg6[%dma_start3A_29, %dma_start3A_30, %dma_start3A_31] : memref<32x8x32xf32, #tpu.memory_space<vmem>> -> memref<1x8x32xf32, #tpu.memory_space<vmem>>
    %dma_start3A_33 = arith.constant 0 : i32
    %dma_start3A_34 = arith.constant 0 : i32
    %dma_start3A_35 = tpu.memref_slice %arg2[%squeeze3A_21, %dma_start3A_33, %dma_start3A_34] : memref<12500x8x32xf32, #tpu.memory_space<hbm>> -> memref<1x8x32xf32, #tpu.memory_space<hbm>>
    tpu.enqueue_dma source(%dma_start3A_35 : memref<1x8x32xf32, #tpu.memory_space<hbm>>) target(%dma_start3A_32 : memref<1x8x32xf32, #tpu.memory_space<vmem>>) target_semaphore(%arg7 : memref<!tpu.dma_semaphore, #tpu.memory_space<semaphore_mem>>)
    %slice3A_36 = vector.extract_strided_slice %shift_right_logical3A_6 {offsets = [2], sizes = [1], strides = [1]} : vector<16xi32> to vector<1xi32>
    %squeeze3A_37 = vector.extract %slice3A_36[0] : i32 from vector<1xi32>
    %dma_start3A_38 = arith.constant 2 : i32
    %dma_start3A_39 = arith.constant 0 : i32
    %dma_start3A_40 = arith.constant 0 : i32
    %dma_start3A_41 = tpu.memref_slice %arg6[%dma_start3A_38, %dma_start3A_39, %dma_start3A_40] : memref<32x8x32xf32, #tpu.memory_space<vmem>> -> memref<1x8x32xf32, #tpu.memory_space<vmem>>
    %dma_start3A_42 = arith.constant 0 : i32
    %dma_start3A_43 = arith.constant 0 : i32
    %dma_start3A_44 = tpu.memref_slice %arg2[%squeeze3A_37, %dma_start3A_42, %dma_start3A_43] : memref<12500x8x32xf32, #tpu.memory_space<hbm>> -> memref<1x8x32xf32, #tpu.memory_space<hbm>>
    %dma_start3A_45 = arith.constant 2 : i32
    %dma_start3A_46 = arith.constant 0 : i32
    %dma_start3A_47 = arith.constant 0 : i32
    %dma_start3A_48 = tpu.memref_slice %arg6[%dma_start3A_45, %dma_start3A_46, %dma_start3A_47] : memref<32x8x32xf32, #tpu.memory_space<vmem>> -> memref<1x8x32xf32, #tpu.memory_space<vmem>>
    %dma_start3A_49 = arith.constant 0 : i32
    %dma_start3A_50 = arith.constant 0 : i32
    %dma_start3A_51 = tpu.memref_slice %arg2[%squeeze3A_37, %dma_start3A_49, %dma_start3A_50] : memref<12500x8x32xf32, #tpu.memory_space<hbm>> -> memref<1x8x32xf32, #tpu.memory_space<hbm>>
    tpu.enqueue_dma source(%dma_start3A_51 : memref<1x8x32xf32, #tpu.memory_space<hbm>>) target(%dma_start3A_48 : memref<1x8x32xf32, #tpu.memory_space<vmem>>) target_semaphore(%arg7 : memref<!tpu.dma_semaphore, #tpu.memory_space<semaphore_mem>>)
    %slice3A_52 = vector.extract_strided_slice %shift_right_logical3A_6 {offsets = [3], sizes = [1], strides = [1]} : vector<16xi32> to vector<1xi32>
    %squeeze3A_53 = vector.extract %slice3A_52[0] : i32 from vector<1xi32>
    %dma_start3A_54 = arith.constant 3 : i32
    %dma_start3A_55 = arith.constant 0 : i32
    %dma_start3A_56 = arith.constant 0 : i32
    %dma_start3A_57 = tpu.memref_slice %arg6[%dma_start3A_54, %dma_start3A_55, %dma_start3A_56] : memref<32x8x32xf32, #tpu.memory_space<vmem>> -> memref<1x8x32xf32, #tpu.memory_space<vmem>>
    %dma_start3A_58 = arith.constant 0 : i32
    %dma_start3A_59 = arith.constant 0 : i32
    %dma_start3A_60 = tpu.memref_slice %arg2[%squeeze3A_53, %dma_start3A_58, %dma_start3A_59] : memref<12500x8x32xf32, #tpu.memory_space<hbm>> -> memref<1x8x32xf32, #tpu.memory_space<hbm>>
    %dma_start3A_61 = arith.constant 3 : i32
    %dma_start3A_62 = arith.constant 0 : i32
    %dma_start3A_63 = arith.constant 0 : i32
    %dma_start3A_64 = tpu.memref_slice %arg6[%dma_start3A_61, %dma_start3A_62, %dma_start3A_63] : memref<32x8x32xf32, #tpu.memory_space<vmem>> -> memref<1x8x32xf32, #tpu.memory_space<vmem>>
    %dma_start3A_65 = arith.constant 0 : i32
    %dma_start3A_66 = arith.constant 0 : i32
    %dma_start3A_67 = tpu.memref_slice %arg2[%squeeze3A_53, %dma_start3A_65, %dma_start3A_66] : memref<12500x8x32xf32, #tpu.memory_space<hbm>> -> memref<1x8x32xf32, #tpu.memory_space<hbm>>
    tpu.enqueue_dma source(%dma_start3A_67 : memref<1x8x32xf32, #tpu.memory_space<hbm>>) target(%dma_start3A_64 : memref<1x8x32xf32, #tpu.memory_space<vmem>>) target_semaphore(%arg7 : memref<!tpu.dma_semaphore, #tpu.memory_space<semaphore_mem>>)
    %slice3A_68 = vector.extract_strided_slice %shift_right_logical3A_6 {offsets = [4], sizes = [1], strides = [1]} : vector<16xi32> to vector<1xi32>
    %squeeze3A_69 = vector.extract %slice3A_68[0] : i32 from vector<1xi32>
    %dma_start3A_70 = arith.constant 4 : i32
    %dma_start3A_71 = arith.constant 0 : i32
    %dma_start3A_72 = arith.constant 0 : i32
    %dma_start3A_73 = tpu.memref_slice %arg6[%dma_start3A_70, %dma_start3A_71, %dma_start3A_72] : memref<32x8x32xf32, #tpu.memory_space<vmem>> -> memref<1x8x32xf32, #tpu.memory_space<vmem>>
    %dma_start3A_74 = arith.constant 0 : i32
    %dma_start3A_75 = arith.constant 0 : i32
    %dma_start3A_76 = tpu.memref_slice %arg2[%squeeze3A_69, %dma_start3A_74, %dma_start3A_75] : memref<12500x8x32xf32, #tpu.memory_space<hbm>> -> memref<1x8x32xf32, #tpu.memory_space<hbm>>
    %dma_start3A_77 = arith.constant 4 : i32
    %dma_start3A_78 = arith.constant 0 : i32
    %dma_start3A_79 = arith.constant 0 : i32
    %dma_start3A_80 = tpu.memref_slice %arg6[%dma_start3A_77, %dma_start3A_78, %dma_start3A_79] : memref<32x8x32xf32, #tpu.memory_space<vmem>> -> memref<1x8x32xf32, #tpu.memory_space<vmem>>
    %dma_start3A_81 = arith.constant 0 : i32
    %dma_start3A_82 = arith.constant 0 : i32
    %dma_start3A_83 = tpu.memref_slice %arg2[%squeeze3A_69, %dma_start3A_81, %dma_start3A_82] : memref<12500x8x32xf32, #tpu.memory_space<hbm>> -> memref<1x8x32xf32, #tpu.memory_space<hbm>>
    tpu.enqueue_dma source(%dma_start3A_83 : memref<1x8x32xf32, #tpu.memory_space<hbm>>) target(%dma_start3A_80 : memref<1x8x32xf32, #tpu.memory_space<vmem>>) target_semaphore(%arg7 : memref<!tpu.dma_semaphore, #tpu.memory_space<semaphore_mem>>)
    %slice3A_84 = vector.extract_strided_slice %shift_right_logical3A_6 {offsets = [5], sizes = [1], strides = [1]} : vector<16xi32> to vector<1xi32>
    %squeeze3A_85 = vector.extract %slice3A_84[0] : i32 from vector<1xi32>
    %dma_start3A_86 = arith.constant 5 : i32
    %dma_start3A_87 = arith.constant 0 : i32
    %dma_start3A_88 = arith.constant 0 : i32
    %dma_start3A_89 = tpu.memref_slice %arg6[%dma_start3A_86, %dma_start3A_87, %dma_start3A_88] : memref<32x8x32xf32, #tpu.memory_space<vmem>> -> memref<1x8x32xf32, #tpu.memory_space<vmem>>
    %dma_start3A_90 = arith.constant 0 : i32
    %dma_start3A_91 = arith.constant 0 : i32
    %dma_start3A_92 = tpu.memref_slice %arg2[%squeeze3A_85, %dma_start3A_90, %dma_start3A_91] : memref<12500x8x32xf32, #tpu.memory_space<hbm>> -> memref<1x8x32xf32, #tpu.memory_space<hbm>>
    %dma_start3A_93 = arith.constant 5 : i32
    %dma_start3A_94 = arith.constant 0 : i32
    %dma_start3A_95 = arith.constant 0 : i32
    %dma_start3A_96 = tpu.memref_slice %arg6[%dma_start3A_93, %dma_start3A_94, %dma_start3A_95] : memref<32x8x32xf32, #tpu.memory_space<vmem>> -> memref<1x8x32xf32, #tpu.memory_space<vmem>>
    %dma_start3A_97 = arith.constant 0 : i32
    %dma_start3A_98 = arith.constant 0 : i32
    %dma_start3A_99 = tpu.memref_slice %arg2[%squeeze3A_85, %dma_start3A_97, %dma_start3A_98] : memref<12500x8x32xf32, #tpu.memory_space<hbm>> -> memref<1x8x32xf32, #tpu.memory_space<hbm>>
    tpu.enqueue_dma source(%dma_start3A_99 : memref<1x8x32xf32, #tpu.memory_space<hbm>>) target(%dma_start3A_96 : memref<1x8x32xf32, #tpu.memory_space<vmem>>) target_semaphore(%arg7 : memref<!tpu.dma_semaphore, #tpu.memory_space<semaphore_mem>>)
    %slice3A_100 = vector.extract_strided_slice %shift_right_logical3A_6 {offsets = [6], sizes = [1], strides = [1]} : vector<16xi32> to vector<1xi32>
    %squeeze3A_101 = vector.extract %slice3A_100[0] : i32 from vector<1xi32>
    %dma_start3A_102 = arith.constant 6 : i32
    %dma_start3A_103 = arith.constant 0 : i32
    %dma_start3A_104 = arith.constant 0 : i32
    %dma_start3A_105 = tpu.memref_slice %arg6[%dma_start3A_102, %dma_start3A_103, %dma_start3A_104] : memref<32x8x32xf32, #tpu.memory_space<vmem>> -> memref<1x8x32xf32, #tpu.memory_space<vmem>>
    %dma_start3A_106 = arith.constant 0 : i32
    %dma_start3A_107 = arith.constant 0 : i32
    %dma_start3A_108 = tpu.memref_slice %arg2[%squeeze3A_101, %dma_start3A_106, %dma_start3A_107] : memref<12500x8x32xf32, #tpu.memory_space<hbm>> -> memref<1x8x32xf32, #tpu.memory_space<hbm>>
    %dma_start3A_109 = arith.constant 6 : i32
    %dma_start3A_110 = arith.constant 0 : i32
    %dma_start3A_111 = arith.constant 0 : i32
    %dma_start3A_112 = tpu.memref_slice %arg6[%dma_start3A_109, %dma_start3A_110, %dma_start3A_111] : memref<32x8x32xf32, #tpu.memory_space<vmem>> -> memref<1x8x32xf32, #tpu.memory_space<vmem>>
    %dma_start3A_113 = arith.constant 0 : i32
    %dma_start3A_114 = arith.constant 0 : i32
    %dma_start3A_115 = tpu.memref_slice %arg2[%squeeze3A_101, %dma_start3A_113, %dma_start3A_114] : memref<12500x8x32xf32, #tpu.memory_space<hbm>> -> memref<1x8x32xf32, #tpu.memory_space<hbm>>
    tpu.enqueue_dma source(%dma_start3A_115 : memref<1x8x32xf32, #tpu.memory_space<hbm>>) target(%dma_start3A_112 : memref<1x8x32xf32, #tpu.memory_space<vmem>>) target_semaphore(%arg7 : memref<!tpu.dma_semaphore, #tpu.memory_space<semaphore_mem>>)
    %slice3A_116 = vector.extract_strided_slice %shift_right_logical3A_6 {offsets = [7], sizes = [1], strides = [1]} : vector<16xi32> to vector<1xi32>
    %squeeze3A_117 = vector.extract %slice3A_116[0] : i32 from vector<1xi32>
    %dma_start3A_118 = arith.constant 7 : i32
    %dma_start3A_119 = arith.constant 0 : i32
    %dma_start3A_120 = arith.constant 0 : i32
    %dma_start3A_121 = tpu.memref_slice %arg6[%dma_start3A_118, %dma_start3A_119, %dma_start3A_120] : memref<32x8x32xf32, #tpu.memory_space<vmem>> -> memref<1x8x32xf32, #tpu.memory_space<vmem>>
    %dma_start3A_122 = arith.constant 0 : i32
    %dma_start3A_123 = arith.constant 0 : i32
    %dma_start3A_124 = tpu.memref_slice %arg2[%squeeze3A_117, %dma_start3A_122, %dma_start3A_123] : memref<12500x8x32xf32, #tpu.memory_space<hbm>> -> memref<1x8x32xf32, #tpu.memory_space<hbm>>
    %dma_start3A_125 = arith.constant 7 : i32
    %dma_start3A_126 = arith.constant 0 : i32
    %dma_start3A_127 = arith.constant 0 : i32
    %dma_start3A_128 = tpu.memref_slice %arg6[%dma_start3A_125, %dma_start3A_126, %dma_start3A_127] : memref<32x8x32xf32, #tpu.memory_space<vmem>> -> memref<1x8x32xf32, #tpu.memory_space<vmem>>
    %dma_start3A_129 = arith.constant 0 : i32
    %dma_start3A_130 = arith.constant 0 : i32
    %dma_start3A_131 = tpu.memref_slice %arg2[%squeeze3A_117, %dma_start3A_129, %dma_start3A_130] : memref<12500x8x32xf32, #tpu.memory_space<hbm>> -> memref<1x8x32xf32, #tpu.memory_space<hbm>>
    tpu.enqueue_dma source(%dma_start3A_131 : memref<1x8x32xf32, #tpu.memory_space<hbm>>) target(%dma_start3A_128 : memref<1x8x32xf32, #tpu.memory_space<vmem>>) target_semaphore(%arg7 : memref<!tpu.dma_semaphore, #tpu.memory_space<semaphore_mem>>)
    %slice3A_132 = vector.extract_strided_slice %shift_right_logical3A_6 {offsets = [8], sizes = [1], strides = [1]} : vector<16xi32> to vector<1xi32>
    %squeeze3A_133 = vector.extract %slice3A_132[0] : i32 from vector<1xi32>
    %dma_start3A_134 = arith.constant 8 : i32
    %dma_start3A_135 = arith.constant 0 : i32
    %dma_start3A_136 = arith.constant 0 : i32
    %dma_start3A_137 = tpu.memref_slice %arg6[%dma_start3A_134, %dma_start3A_135, %dma_start3A_136] : memref<32x8x32xf32, #tpu.memory_space<vmem>> -> memref<1x8x32xf32, #tpu.memory_space<vmem>>
    %dma_start3A_138 = arith.constant 0 : i32
    %dma_start3A_139 = arith.constant 0 : i32
    %dma_start3A_140 = tpu.memref_slice %arg2[%squeeze3A_133, %dma_start3A_138, %dma_start3A_139] : memref<12500x8x32xf32, #tpu.memory_space<hbm>> -> memref<1x8x32xf32, #tpu.memory_space<hbm>>
    %dma_start3A_141 = arith.constant 8 : i32
    %dma_start3A_142 = arith.constant 0 : i32
    %dma_start3A_143 = arith.constant 0 : i32
    %dma_start3A_144 = tpu.memref_slice %arg6[%dma_start3A_141, %dma_start3A_142, %dma_start3A_143] : memref<32x8x32xf32, #tpu.memory_space<vmem>> -> memref<1x8x32xf32, #tpu.memory_space<vmem>>
    %dma_start3A_145 = arith.constant 0 : i32
    %dma_start3A_146 = arith.constant 0 : i32
    %dma_start3A_147 = tpu.memref_slice %arg2[%squeeze3A_133, %dma_start3A_145, %dma_start3A_146] : memref<12500x8x32xf32, #tpu.memory_space<hbm>> -> memref<1x8x32xf32, #tpu.memory_space<hbm>>
    tpu.enqueue_dma source(%dma_start3A_147 : memref<1x8x32xf32, #tpu.memory_space<hbm>>) target(%dma_start3A_144 : memref<1x8x32xf32, #tpu.memory_space<vmem>>) target_semaphore(%arg7 : memref<!tpu.dma_semaphore, #tpu.memory_space<semaphore_mem>>)
    %slice3A_148 = vector.extract_strided_slice %shift_right_logical3A_6 {offsets = [9], sizes = [1], strides = [1]} : vector<16xi32> to vector<1xi32>
    %squeeze3A_149 = vector.extract %slice3A_148[0] : i32 from vector<1xi32>
    %dma_start3A_150 = arith.constant 9 : i32
    %dma_start3A_151 = arith.constant 0 : i32
    %dma_start3A_152 = arith.constant 0 : i32
    %dma_start3A_153 = tpu.memref_slice %arg6[%dma_start3A_150, %dma_start3A_151, %dma_start3A_152] : memref<32x8x32xf32, #tpu.memory_space<vmem>> -> memref<1x8x32xf32, #tpu.memory_space<vmem>>
    %dma_start3A_154 = arith.constant 0 : i32
    %dma_start3A_155 = arith.constant 0 : i32
    %dma_start3A_156 = tpu.memref_slice %arg2[%squeeze3A_149, %dma_start3A_154, %dma_start3A_155] : memref<12500x8x32xf32, #tpu.memory_space<hbm>> -> memref<1x8x32xf32, #tpu.memory_space<hbm>>
    %dma_start3A_157 = arith.constant 9 : i32
    %dma_start3A_158 = arith.constant 0 : i32
    %dma_start3A_159 = arith.constant 0 : i32
    %dma_start3A_160 = tpu.memref_slice %arg6[%dma_start3A_157, %dma_start3A_158, %dma_start3A_159] : memref<32x8x32xf32, #tpu.memory_space<vmem>> -> memref<1x8x32xf32, #tpu.memory_space<vmem>>
    %dma_start3A_161 = arith.constant 0 : i32
    %dma_start3A_162 = arith.constant 0 : i32
    %dma_start3A_163 = tpu.memref_slice %arg2[%squeeze3A_149, %dma_start3A_161, %dma_start3A_162] : memref<12500x8x32xf32, #tpu.memory_space<hbm>> -> memref<1x8x32xf32, #tpu.memory_space<hbm>>
    tpu.enqueue_dma source(%dma_start3A_163 : memref<1x8x32xf32, #tpu.memory_space<hbm>>) target(%dma_start3A_160 : memref<1x8x32xf32, #tpu.memory_space<vmem>>) target_semaphore(%arg7 : memref<!tpu.dma_semaphore, #tpu.memory_space<semaphore_mem>>)
    %slice3A_164 = vector.extract_strided_slice %shift_right_logical3A_6 {offsets = [10], sizes = [1], strides = [1]} : vector<16xi32> to vector<1xi32>
    %squeeze3A_165 = vector.extract %slice3A_164[0] : i32 from vector<1xi32>
    %dma_start3A_166 = arith.constant 10 : i32
    %dma_start3A_167 = arith.constant 0 : i32
    %dma_start3A_168 = arith.constant 0 : i32
    %dma_start3A_169 = tpu.memref_slice %arg6[%dma_start3A_166, %dma_start3A_167, %dma_start3A_168] : memref<32x8x32xf32, #tpu.memory_space<vmem>> -> memref<1x8x32xf32, #tpu.memory_space<vmem>>
    %dma_start3A_170 = arith.constant 0 : i32
    %dma_start3A_171 = arith.constant 0 : i32
    %dma_start3A_172 = tpu.memref_slice %arg2[%squeeze3A_165, %dma_start3A_170, %dma_start3A_171] : memref<12500x8x32xf32, #tpu.memory_space<hbm>> -> memref<1x8x32xf32, #tpu.memory_space<hbm>>
    %dma_start3A_173 = arith.constant 10 : i32
    %dma_start3A_174 = arith.constant 0 : i32
    %dma_start3A_175 = arith.constant 0 : i32
    %dma_start3A_176 = tpu.memref_slice %arg6[%dma_start3A_173, %dma_start3A_174, %dma_start3A_175] : memref<32x8x32xf32, #tpu.memory_space<vmem>> -> memref<1x8x32xf32, #tpu.memory_space<vmem>>
    %dma_start3A_177 = arith.constant 0 : i32
    %dma_start3A_178 = arith.constant 0 : i32
    %dma_start3A_179 = tpu.memref_slice %arg2[%squeeze3A_165, %dma_start3A_177, %dma_start3A_178] : memref<12500x8x32xf32, #tpu.memory_space<hbm>> -> memref<1x8x32xf32, #tpu.memory_space<hbm>>
    tpu.enqueue_dma source(%dma_start3A_179 : memref<1x8x32xf32, #tpu.memory_space<hbm>>) target(%dma_start3A_176 : memref<1x8x32xf32, #tpu.memory_space<vmem>>) target_semaphore(%arg7 : memref<!tpu.dma_semaphore, #tpu.memory_space<semaphore_mem>>)
    %slice3A_180 = vector.extract_strided_slice %shift_right_logical3A_6 {offsets = [11], sizes = [1], strides = [1]} : vector<16xi32> to vector<1xi32>
    %squeeze3A_181 = vector.extract %slice3A_180[0] : i32 from vector<1xi32>
    %dma_start3A_182 = arith.constant 11 : i32
    %dma_start3A_183 = arith.constant 0 : i32
    %dma_start3A_184 = arith.constant 0 : i32
    %dma_start3A_185 = tpu.memref_slice %arg6[%dma_start3A_182, %dma_start3A_183, %dma_start3A_184] : memref<32x8x32xf32, #tpu.memory_space<vmem>> -> memref<1x8x32xf32, #tpu.memory_space<vmem>>
    %dma_start3A_186 = arith.constant 0 : i32
    %dma_start3A_187 = arith.constant 0 : i32
    %dma_start3A_188 = tpu.memref_slice %arg2[%squeeze3A_181, %dma_start3A_186, %dma_start3A_187] : memref<12500x8x32xf32, #tpu.memory_space<hbm>> -> memref<1x8x32xf32, #tpu.memory_space<hbm>>
    %dma_start3A_189 = arith.constant 11 : i32
    %dma_start3A_190 = arith.constant 0 : i32
    %dma_start3A_191 = arith.constant 0 : i32
    %dma_start3A_192 = tpu.memref_slice %arg6[%dma_start3A_189, %dma_start3A_190, %dma_start3A_191] : memref<32x8x32xf32, #tpu.memory_space<vmem>> -> memref<1x8x32xf32, #tpu.memory_space<vmem>>
    %dma_start3A_193 = arith.constant 0 : i32
    %dma_start3A_194 = arith.constant 0 : i32
    %dma_start3A_195 = tpu.memref_slice %arg2[%squeeze3A_181, %dma_start3A_193, %dma_start3A_194] : memref<12500x8x32xf32, #tpu.memory_space<hbm>> -> memref<1x8x32xf32, #tpu.memory_space<hbm>>
    tpu.enqueue_dma source(%dma_start3A_195 : memref<1x8x32xf32, #tpu.memory_space<hbm>>) target(%dma_start3A_192 : memref<1x8x32xf32, #tpu.memory_space<vmem>>) target_semaphore(%arg7 : memref<!tpu.dma_semaphore, #tpu.memory_space<semaphore_mem>>)
    %slice3A_196 = vector.extract_strided_slice %shift_right_logical3A_6 {offsets = [12], sizes = [1], strides = [1]} : vector<16xi32> to vector<1xi32>
    %squeeze3A_197 = vector.extract %slice3A_196[0] : i32 from vector<1xi32>
    %dma_start3A_198 = arith.constant 12 : i32
    %dma_start3A_199 = arith.constant 0 : i32
    %dma_start3A_200 = arith.constant 0 : i32
    %dma_start3A_201 = tpu.memref_slice %arg6[%dma_start3A_198, %dma_start3A_199, %dma_start3A_200] : memref<32x8x32xf32, #tpu.memory_space<vmem>> -> memref<1x8x32xf32, #tpu.memory_space<vmem>>
    %dma_start3A_202 = arith.constant 0 : i32
    %dma_start3A_203 = arith.constant 0 : i32
    %dma_start3A_204 = tpu.memref_slice %arg2[%squeeze3A_197, %dma_start3A_202, %dma_start3A_203] : memref<12500x8x32xf32, #tpu.memory_space<hbm>> -> memref<1x8x32xf32, #tpu.memory_space<hbm>>
    %dma_start3A_205 = arith.constant 12 : i32
    %dma_start3A_206 = arith.constant 0 : i32
    %dma_start3A_207 = arith.constant 0 : i32
    %dma_start3A_208 = tpu.memref_slice %arg6[%dma_start3A_205, %dma_start3A_206, %dma_start3A_207] : memref<32x8x32xf32, #tpu.memory_space<vmem>> -> memref<1x8x32xf32, #tpu.memory_space<vmem>>
    %dma_start3A_209 = arith.constant 0 : i32
    %dma_start3A_210 = arith.constant 0 : i32
    %dma_start3A_211 = tpu.memref_slice %arg2[%squeeze3A_197, %dma_start3A_209, %dma_start3A_210] : memref<12500x8x32xf32, #tpu.memory_space<hbm>> -> memref<1x8x32xf32, #tpu.memory_space<hbm>>
    tpu.enqueue_dma source(%dma_start3A_211 : memref<1x8x32xf32, #tpu.memory_space<hbm>>) target(%dma_start3A_208 : memref<1x8x32xf32, #tpu.memory_space<vmem>>) target_semaphore(%arg7 : memref<!tpu.dma_semaphore, #tpu.memory_space<semaphore_mem>>)
    %slice3A_212 = vector.extract_strided_slice %shift_right_logical3A_6 {offsets = [13], sizes = [1], strides = [1]} : vector<16xi32> to vector<1xi32>
    %squeeze3A_213 = vector.extract %slice3A_212[0] : i32 from vector<1xi32>
    %dma_start3A_214 = arith.constant 13 : i32
    %dma_start3A_215 = arith.constant 0 : i32
    %dma_start3A_216 = arith.constant 0 : i32
    %dma_start3A_217 = tpu.memref_slice %arg6[%dma_start3A_214, %dma_start3A_215, %dma_start3A_216] : memref<32x8x32xf32, #tpu.memory_space<vmem>> -> memref<1x8x32xf32, #tpu.memory_space<vmem>>
    %dma_start3A_218 = arith.constant 0 : i32
    %dma_start3A_219 = arith.constant 0 : i32
    %dma_start3A_220 = tpu.memref_slice %arg2[%squeeze3A_213, %dma_start3A_218, %dma_start3A_219] : memref<12500x8x32xf32, #tpu.memory_space<hbm>> -> memref<1x8x32xf32, #tpu.memory_space<hbm>>
    %dma_start3A_221 = arith.constant 13 : i32
    %dma_start3A_222 = arith.constant 0 : i32
    %dma_start3A_223 = arith.constant 0 : i32
    %dma_start3A_224 = tpu.memref_slice %arg6[%dma_start3A_221, %dma_start3A_222, %dma_start3A_223] : memref<32x8x32xf32, #tpu.memory_space<vmem>> -> memref<1x8x32xf32, #tpu.memory_space<vmem>>
    %dma_start3A_225 = arith.constant 0 : i32
    %dma_start3A_226 = arith.constant 0 : i32
    %dma_start3A_227 = tpu.memref_slice %arg2[%squeeze3A_213, %dma_start3A_225, %dma_start3A_226] : memref<12500x8x32xf32, #tpu.memory_space<hbm>> -> memref<1x8x32xf32, #tpu.memory_space<hbm>>
    tpu.enqueue_dma source(%dma_start3A_227 : memref<1x8x32xf32, #tpu.memory_space<hbm>>) target(%dma_start3A_224 : memref<1x8x32xf32, #tpu.memory_space<vmem>>) target_semaphore(%arg7 : memref<!tpu.dma_semaphore, #tpu.memory_space<semaphore_mem>>)
    %slice3A_228 = vector.extract_strided_slice %shift_right_logical3A_6 {offsets = [14], sizes = [1], strides = [1]} : vector<16xi32> to vector<1xi32>
    %squeeze3A_229 = vector.extract %slice3A_228[0] : i32 from vector<1xi32>
    %dma_start3A_230 = arith.constant 14 : i32
    %dma_start3A_231 = arith.constant 0 : i32
    %dma_start3A_232 = arith.constant 0 : i32
    %dma_start3A_233 = tpu.memref_slice %arg6[%dma_start3A_230, %dma_start3A_231, %dma_start3A_232] : memref<32x8x32xf32, #tpu.memory_space<vmem>> -> memref<1x8x32xf32, #tpu.memory_space<vmem>>
    %dma_start3A_234 = arith.constant 0 : i32
    %dma_start3A_235 = arith.constant 0 : i32
    %dma_start3A_236 = tpu.memref_slice %arg2[%squeeze3A_229, %dma_start3A_234, %dma_start3A_235] : memref<12500x8x32xf32, #tpu.memory_space<hbm>> -> memref<1x8x32xf32, #tpu.memory_space<hbm>>
    %dma_start3A_237 = arith.constant 14 : i32
    %dma_start3A_238 = arith.constant 0 : i32
    %dma_start3A_239 = arith.constant 0 : i32
    %dma_start3A_240 = tpu.memref_slice %arg6[%dma_start3A_237, %dma_start3A_238, %dma_start3A_239] : memref<32x8x32xf32, #tpu.memory_space<vmem>> -> memref<1x8x32xf32, #tpu.memory_space<vmem>>
    %dma_start3A_241 = arith.constant 0 : i32
    %dma_start3A_242 = arith.constant 0 : i32
    %dma_start3A_243 = tpu.memref_slice %arg2[%squeeze3A_229, %dma_start3A_241, %dma_start3A_242] : memref<12500x8x32xf32, #tpu.memory_space<hbm>> -> memref<1x8x32xf32, #tpu.memory_space<hbm>>
    tpu.enqueue_dma source(%dma_start3A_243 : memref<1x8x32xf32, #tpu.memory_space<hbm>>) target(%dma_start3A_240 : memref<1x8x32xf32, #tpu.memory_space<vmem>>) target_semaphore(%arg7 : memref<!tpu.dma_semaphore, #tpu.memory_space<semaphore_mem>>)
    %slice3A_244 = vector.extract_strided_slice %shift_right_logical3A_6 {offsets = [15], sizes = [1], strides = [1]} : vector<16xi32> to vector<1xi32>
    %squeeze3A_245 = vector.extract %slice3A_244[0] : i32 from vector<1xi32>
    %dma_start3A_246 = arith.constant 15 : i32
    %dma_start3A_247 = arith.constant 0 : i32
    %dma_start3A_248 = arith.constant 0 : i32
    %dma_start3A_249 = tpu.memref_slice %arg6[%dma_start3A_246, %dma_start3A_247, %dma_start3A_248] : memref<32x8x32xf32, #tpu.memory_space<vmem>> -> memref<1x8x32xf32, #tpu.memory_space<vmem>>
    %dma_start3A_250 = arith.constant 0 : i32
    %dma_start3A_251 = arith.constant 0 : i32
    %dma_start3A_252 = tpu.memref_slice %arg2[%squeeze3A_245, %dma_start3A_250, %dma_start3A_251] : memref<12500x8x32xf32, #tpu.memory_space<hbm>> -> memref<1x8x32xf32, #tpu.memory_space<hbm>>
    %dma_start3A_253 = arith.constant 15 : i32
    %dma_start3A_254 = arith.constant 0 : i32
    %dma_start3A_255 = arith.constant 0 : i32
    %dma_start3A_256 = tpu.memref_slice %arg6[%dma_start3A_253, %dma_start3A_254, %dma_start3A_255] : memref<32x8x32xf32, #tpu.memory_space<vmem>> -> memref<1x8x32xf32, #tpu.memory_space<vmem>>
    %dma_start3A_257 = arith.constant 0 : i32
    %dma_start3A_258 = arith.constant 0 : i32
    %dma_start3A_259 = tpu.memref_slice %arg2[%squeeze3A_245, %dma_start3A_257, %dma_start3A_258] : memref<12500x8x32xf32, #tpu.memory_space<hbm>> -> memref<1x8x32xf32, #tpu.memory_space<hbm>>
    tpu.enqueue_dma source(%dma_start3A_259 : memref<1x8x32xf32, #tpu.memory_space<hbm>>) target(%dma_start3A_256 : memref<1x8x32xf32, #tpu.memory_space<vmem>>) target_semaphore(%arg7 : memref<!tpu.dma_semaphore, #tpu.memory_space<semaphore_mem>>)
    %get3A_260 = arith.constant 16 : index
    %get3A_261 = tpu.vector_load %arg5[%get3A_260] {strides = array<i32>} : memref<32xf32, #tpu.memory_space<vmem>>, vector<16xf32>,
    %get3A_262 = vector.shape_cast %get3A_261 : vector<16xf32> to vector<16xf32>
    %bitcast_convert_type3A_263 = tpu.bitcast %get3A_262 : vector<16xf32> -> vector<16xi32>
    %shift_right_logical3A_264 = arith.constant 3 : i32
    %shift_right_logical3A_265 = vector.broadcast %shift_right_logical3A_264 : i32 to vector<16xi32>
    %shift_right_logical3A_266 = arith.shrui %bitcast_convert_type3A_263, %shift_right_logical3A_265 : vector<16xi32>
    %slice3A_267 = vector.extract_strided_slice %shift_right_logical3A_266 {offsets = [0], sizes = [1], strides = [1]} : vector<16xi32> to vector<1xi32>
    %squeeze3A_268 = vector.extract %slice3A_267[0] : i32 from vector<1xi32>
    %dma_start3A_269 = arith.constant 16 : i32
    %dma_start3A_270 = arith.constant 0 : i32
    %dma_start3A_271 = arith.constant 0 : i32
    %dma_start3A_272 = tpu.memref_slice %arg6[%dma_start3A_269, %dma_start3A_270, %dma_start3A_271] : memref<32x8x32xf32, #tpu.memory_space<vmem>> -> memref<1x8x32xf32, #tpu.memory_space<vmem>>
    %dma_start3A_273 = arith.constant 0 : i32
    %dma_start3A_274 = arith.constant 0 : i32
    %dma_start3A_275 = tpu.memref_slice %arg2[%squeeze3A_268, %dma_start3A_273, %dma_start3A_274] : memref<12500x8x32xf32, #tpu.memory_space<hbm>> -> memref<1x8x32xf32, #tpu.memory_space<hbm>>
    %dma_start3A_276 = arith.constant 16 : i32
    %dma_start3A_277 = arith.constant 0 : i32
    %dma_start3A_278 = arith.constant 0 : i32
    %dma_start3A_279 = tpu.memref_slice %arg6[%dma_start3A_276, %dma_start3A_277, %dma_start3A_278] : memref<32x8x32xf32, #tpu.memory_space<vmem>> -> memref<1x8x32xf32, #tpu.memory_space<vmem>>
    %dma_start3A_280 = arith.constant 0 : i32
    %dma_start3A_281 = arith.constant 0 : i32
    %dma_start3A_282 = tpu.memref_slice %arg2[%squeeze3A_268, %dma_start3A_280, %dma_start3A_281] : memref<12500x8x32xf32, #tpu.memory_space<hbm>> -> memref<1x8x32xf32, #tpu.memory_space<hbm>>
    tpu.enqueue_dma source(%dma_start3A_282 : memref<1x8x32xf32, #tpu.memory_space<hbm>>) target(%dma_start3A_279 : memref<1x8x32xf32, #tpu.memory_space<vmem>>) target_semaphore(%arg7 : memref<!tpu.dma_semaphore, #tpu.memory_space<semaphore_mem>>)
    %slice3A_283 = vector.extract_strided_slice %shift_right_logical3A_266 {offsets = [1], sizes = [1], strides = [1]} : vector<16xi32> to vector<1xi32>
    %squeeze3A_284 = vector.extract %slice3A_283[0] : i32 from vector<1xi32>
    %dma_start3A_285 = arith.constant 17 : i32
    %dma_start3A_286 = arith.constant 0 : i32
    %dma_start3A_287 = arith.constant 0 : i32
    %dma_start3A_288 = tpu.memref_slice %arg6[%dma_start3A_285, %dma_start3A_286, %dma_start3A_287] : memref<32x8x32xf32, #tpu.memory_space<vmem>> -> memref<1x8x32xf32, #tpu.memory_space<vmem>>
    %dma_start3A_289 = arith.constant 0 : i32
    %dma_start3A_290 = arith.constant 0 : i32
    %dma_start3A_291 = tpu.memref_slice %arg2[%squeeze3A_284, %dma_start3A_289, %dma_start3A_290] : memref<12500x8x32xf32, #tpu.memory_space<hbm>> -> memref<1x8x32xf32, #tpu.memory_space<hbm>>
    %dma_start3A_292 = arith.constant 17 : i32
    %dma_start3A_293 = arith.constant 0 : i32
    %dma_start3A_294 = arith.constant 0 : i32
    %dma_start3A_295 = tpu.memref_slice %arg6[%dma_start3A_292, %dma_start3A_293, %dma_start3A_294] : memref<32x8x32xf32, #tpu.memory_space<vmem>> -> memref<1x8x32xf32, #tpu.memory_space<vmem>>
    %dma_start3A_296 = arith.constant 0 : i32
    %dma_start3A_297 = arith.constant 0 : i32
    %dma_start3A_298 = tpu.memref_slice %arg2[%squeeze3A_284, %dma_start3A_296, %dma_start3A_297] : memref<12500x8x32xf32, #tpu.memory_space<hbm>> -> memref<1x8x32xf32, #tpu.memory_space<hbm>>
    tpu.enqueue_dma source(%dma_start3A_298 : memref<1x8x32xf32, #tpu.memory_space<hbm>>) target(%dma_start3A_295 : memref<1x8x32xf32, #tpu.memory_space<vmem>>) target_semaphore(%arg7 : memref<!tpu.dma_semaphore, #tpu.memory_space<semaphore_mem>>)
    %slice3A_299 = vector.extract_strided_slice %shift_right_logical3A_266 {offsets = [2], sizes = [1], strides = [1]} : vector<16xi32> to vector<1xi32>
    %squeeze3A_300 = vector.extract %slice3A_299[0] : i32 from vector<1xi32>
    %dma_start3A_301 = arith.constant 18 : i32
    %dma_start3A_302 = arith.constant 0 : i32
    %dma_start3A_303 = arith.constant 0 : i32
    %dma_start3A_304 = tpu.memref_slice %arg6[%dma_start3A_301, %dma_start3A_302, %dma_start3A_303] : memref<32x8x32xf32, #tpu.memory_space<vmem>> -> memref<1x8x32xf32, #tpu.memory_space<vmem>>
    %dma_start3A_305 = arith.constant 0 : i32
    %dma_start3A_306 = arith.constant 0 : i32
    %dma_start3A_307 = tpu.memref_slice %arg2[%squeeze3A_300, %dma_start3A_305, %dma_start3A_306] : memref<12500x8x32xf32, #tpu.memory_space<hbm>> -> memref<1x8x32xf32, #tpu.memory_space<hbm>>
    %dma_start3A_308 = arith.constant 18 : i32
    %dma_start3A_309 = arith.constant 0 : i32
    %dma_start3A_310 = arith.constant 0 : i32
    %dma_start3A_311 = tpu.memref_slice %arg6[%dma_start3A_308, %dma_start3A_309, %dma_start3A_310] : memref<32x8x32xf32, #tpu.memory_space<vmem>> -> memref<1x8x32xf32, #tpu.memory_space<vmem>>
    %dma_start3A_312 = arith.constant 0 : i32
    %dma_start3A_313 = arith.constant 0 : i32
    %dma_start3A_314 = tpu.memref_slice %arg2[%squeeze3A_300, %dma_start3A_312, %dma_start3A_313] : memref<12500x8x32xf32, #tpu.memory_space<hbm>> -> memref<1x8x32xf32, #tpu.memory_space<hbm>>
    tpu.enqueue_dma source(%dma_start3A_314 : memref<1x8x32xf32, #tpu.memory_space<hbm>>) target(%dma_start3A_311 : memref<1x8x32xf32, #tpu.memory_space<vmem>>) target_semaphore(%arg7 : memref<!tpu.dma_semaphore, #tpu.memory_space<semaphore_mem>>)
    %slice3A_315 = vector.extract_strided_slice %shift_right_logical3A_266 {offsets = [3], sizes = [1], strides = [1]} : vector<16xi32> to vector<1xi32>
    %squeeze3A_316 = vector.extract %slice3A_315[0] : i32 from vector<1xi32>
    %dma_start3A_317 = arith.constant 19 : i32
    %dma_start3A_318 = arith.constant 0 : i32
    %dma_start3A_319 = arith.constant 0 : i32
    %dma_start3A_320 = tpu.memref_slice %arg6[%dma_start3A_317, %dma_start3A_318, %dma_start3A_319] : memref<32x8x32xf32, #tpu.memory_space<vmem>> -> memref<1x8x32xf32, #tpu.memory_space<vmem>>
    %dma_start3A_321 = arith.constant 0 : i32
    %dma_start3A_322 = arith.constant 0 : i32
    %dma_start3A_323 = tpu.memref_slice %arg2[%squeeze3A_316, %dma_start3A_321, %dma_start3A_322] : memref<12500x8x32xf32, #tpu.memory_space<hbm>> -> memref<1x8x32xf32, #tpu.memory_space<hbm>>
    %dma_start3A_324 = arith.constant 19 : i32
    %dma_start3A_325 = arith.constant 0 : i32
    %dma_start3A_326 = arith.constant 0 : i32
    %dma_start3A_327 = tpu.memref_slice %arg6[%dma_start3A_324, %dma_start3A_325, %dma_start3A_326] : memref<32x8x32xf32, #tpu.memory_space<vmem>> -> memref<1x8x32xf32, #tpu.memory_space<vmem>>
    %dma_start3A_328 = arith.constant 0 : i32
    %dma_start3A_329 = arith.constant 0 : i32
    %dma_start3A_330 = tpu.memref_slice %arg2[%squeeze3A_316, %dma_start3A_328, %dma_start3A_329] : memref<12500x8x32xf32, #tpu.memory_space<hbm>> -> memref<1x8x32xf32, #tpu.memory_space<hbm>>
    tpu.enqueue_dma source(%dma_start3A_330 : memref<1x8x32xf32, #tpu.memory_space<hbm>>) target(%dma_start3A_327 : memref<1x8x32xf32, #tpu.memory_space<vmem>>) target_semaphore(%arg7 : memref<!tpu.dma_semaphore, #tpu.memory_space<semaphore_mem>>)
    %slice3A_331 = vector.extract_strided_slice %shift_right_logical3A_266 {offsets = [4], sizes = [1], strides = [1]} : vector<16xi32> to vector<1xi32>
    %squeeze3A_332 = vector.extract %slice3A_331[0] : i32 from vector<1xi32>
    %dma_start3A_333 = arith.constant 20 : i32
    %dma_start3A_334 = arith.constant 0 : i32
    %dma_start3A_335 = arith.constant 0 : i32
    %dma_start3A_336 = tpu.memref_slice %arg6[%dma_start3A_333, %dma_start3A_334, %dma_start3A_335] : memref<32x8x32xf32, #tpu.memory_space<vmem>> -> memref<1x8x32xf32, #tpu.memory_space<vmem>>
    %dma_start3A_337 = arith.constant 0 : i32
    %dma_start3A_338 = arith.constant 0 : i32
    %dma_start3A_339 = tpu.memref_slice %arg2[%squeeze3A_332, %dma_start3A_337, %dma_start3A_338] : memref<12500x8x32xf32, #tpu.memory_space<hbm>> -> memref<1x8x32xf32, #tpu.memory_space<hbm>>
    %dma_start3A_340 = arith.constant 20 : i32
    %dma_start3A_341 = arith.constant 0 : i32
    %dma_start3A_342 = arith.constant 0 : i32
    %dma_start3A_343 = tpu.memref_slice %arg6[%dma_start3A_340, %dma_start3A_341, %dma_start3A_342] : memref<32x8x32xf32, #tpu.memory_space<vmem>> -> memref<1x8x32xf32, #tpu.memory_space<vmem>>
    %dma_start3A_344 = arith.constant 0 : i32
    %dma_start3A_345 = arith.constant 0 : i32
    %dma_start3A_346 = tpu.memref_slice %arg2[%squeeze3A_332, %dma_start3A_344, %dma_start3A_345] : memref<12500x8x32xf32, #tpu.memory_space<hbm>> -> memref<1x8x32xf32, #tpu.memory_space<hbm>>
    tpu.enqueue_dma source(%dma_start3A_346 : memref<1x8x32xf32, #tpu.memory_space<hbm>>) target(%dma_start3A_343 : memref<1x8x32xf32, #tpu.memory_space<vmem>>) target_semaphore(%arg7 : memref<!tpu.dma_semaphore, #tpu.memory_space<semaphore_mem>>)
    %slice3A_347 = vector.extract_strided_slice %shift_right_logical3A_266 {offsets = [5], sizes = [1], strides = [1]} : vector<16xi32> to vector<1xi32>
    %squeeze3A_348 = vector.extract %slice3A_347[0] : i32 from vector<1xi32>
    %dma_start3A_349 = arith.constant 21 : i32
    %dma_start3A_350 = arith.constant 0 : i32
    %dma_start3A_351 = arith.constant 0 : i32
    %dma_start3A_352 = tpu.memref_slice %arg6[%dma_start3A_349, %dma_start3A_350, %dma_start3A_351] : memref<32x8x32xf32, #tpu.memory_space<vmem>> -> memref<1x8x32xf32, #tpu.memory_space<vmem>>
    %dma_start3A_353 = arith.constant 0 : i32
    %dma_start3A_354 = arith.constant 0 : i32
    %dma_start3A_355 = tpu.memref_slice %arg2[%squeeze3A_348, %dma_start3A_353, %dma_start3A_354] : memref<12500x8x32xf32, #tpu.memory_space<hbm>> -> memref<1x8x32xf32, #tpu.memory_space<hbm>>
    %dma_start3A_356 = arith.constant 21 : i32
    %dma_start3A_357 = arith.constant 0 : i32
    %dma_start3A_358 = arith.constant 0 : i32
    %dma_start3A_359 = tpu.memref_slice %arg6[%dma_start3A_356, %dma_start3A_357, %dma_start3A_358] : memref<32x8x32xf32, #tpu.memory_space<vmem>> -> memref<1x8x32xf32, #tpu.memory_space<vmem>>
    %dma_start3A_360 = arith.constant 0 : i32
    %dma_start3A_361 = arith.constant 0 : i32
    %dma_start3A_362 = tpu.memref_slice %arg2[%squeeze3A_348, %dma_start3A_360, %dma_start3A_361] : memref<12500x8x32xf32, #tpu.memory_space<hbm>> -> memref<1x8x32xf32, #tpu.memory_space<hbm>>
    tpu.enqueue_dma source(%dma_start3A_362 : memref<1x8x32xf32, #tpu.memory_space<hbm>>) target(%dma_start3A_359 : memref<1x8x32xf32, #tpu.memory_space<vmem>>) target_semaphore(%arg7 : memref<!tpu.dma_semaphore, #tpu.memory_space<semaphore_mem>>)
    %slice3A_363 = vector.extract_strided_slice %shift_right_logical3A_266 {offsets = [6], sizes = [1], strides = [1]} : vector<16xi32> to vector<1xi32>
    %squeeze3A_364 = vector.extract %slice3A_363[0] : i32 from vector<1xi32>
    %dma_start3A_365 = arith.constant 22 : i32
    %dma_start3A_366 = arith.constant 0 : i32
    %dma_start3A_367 = arith.constant 0 : i32
    %dma_start3A_368 = tpu.memref_slice %arg6[%dma_start3A_365, %dma_start3A_366, %dma_start3A_367] : memref<32x8x32xf32, #tpu.memory_space<vmem>> -> memref<1x8x32xf32, #tpu.memory_space<vmem>>
    %dma_start3A_369 = arith.constant 0 : i32
    %dma_start3A_370 = arith.constant 0 : i32
    %dma_start3A_371 = tpu.memref_slice %arg2[%squeeze3A_364, %dma_start3A_369, %dma_start3A_370] : memref<12500x8x32xf32, #tpu.memory_space<hbm>> -> memref<1x8x32xf32, #tpu.memory_space<hbm>>
    %dma_start3A_372 = arith.constant 22 : i32
    %dma_start3A_373 = arith.constant 0 : i32
    %dma_start3A_374 = arith.constant 0 : i32
    %dma_start3A_375 = tpu.memref_slice %arg6[%dma_start3A_372, %dma_start3A_373, %dma_start3A_374] : memref<32x8x32xf32, #tpu.memory_space<vmem>> -> memref<1x8x32xf32, #tpu.memory_space<vmem>>
    %dma_start3A_376 = arith.constant 0 : i32
    %dma_start3A_377 = arith.constant 0 : i32
    %dma_start3A_378 = tpu.memref_slice %arg2[%squeeze3A_364, %dma_start3A_376, %dma_start3A_377] : memref<12500x8x32xf32, #tpu.memory_space<hbm>> -> memref<1x8x32xf32, #tpu.memory_space<hbm>>
    tpu.enqueue_dma source(%dma_start3A_378 : memref<1x8x32xf32, #tpu.memory_space<hbm>>) target(%dma_start3A_375 : memref<1x8x32xf32, #tpu.memory_space<vmem>>) target_semaphore(%arg7 : memref<!tpu.dma_semaphore, #tpu.memory_space<semaphore_mem>>)
    %slice3A_379 = vector.extract_strided_slice %shift_right_logical3A_266 {offsets = [7], sizes = [1], strides = [1]} : vector<16xi32> to vector<1xi32>
    %squeeze3A_380 = vector.extract %slice3A_379[0] : i32 from vector<1xi32>
    %dma_start3A_381 = arith.constant 23 : i32
    %dma_start3A_382 = arith.constant 0 : i32
    %dma_start3A_383 = arith.constant 0 : i32
    %dma_start3A_384 = tpu.memref_slice %arg6[%dma_start3A_381, %dma_start3A_382, %dma_start3A_383] : memref<32x8x32xf32, #tpu.memory_space<vmem>> -> memref<1x8x32xf32, #tpu.memory_space<vmem>>
    %dma_start3A_385 = arith.constant 0 : i32
    %dma_start3A_386 = arith.constant 0 : i32
    %dma_start3A_387 = tpu.memref_slice %arg2[%squeeze3A_380, %dma_start3A_385, %dma_start3A_386] : memref<12500x8x32xf32, #tpu.memory_space<hbm>> -> memref<1x8x32xf32, #tpu.memory_space<hbm>>
    %dma_start3A_388 = arith.constant 23 : i32
    %dma_start3A_389 = arith.constant 0 : i32
    %dma_start3A_390 = arith.constant 0 : i32
    %dma_start3A_391 = tpu.memref_slice %arg6[%dma_start3A_388, %dma_start3A_389, %dma_start3A_390] : memref<32x8x32xf32, #tpu.memory_space<vmem>> -> memref<1x8x32xf32, #tpu.memory_space<vmem>>
    %dma_start3A_392 = arith.constant 0 : i32
    %dma_start3A_393 = arith.constant 0 : i32
    %dma_start3A_394 = tpu.memref_slice %arg2[%squeeze3A_380, %dma_start3A_392, %dma_start3A_393] : memref<12500x8x32xf32, #tpu.memory_space<hbm>> -> memref<1x8x32xf32, #tpu.memory_space<hbm>>
    tpu.enqueue_dma source(%dma_start3A_394 : memref<1x8x32xf32, #tpu.memory_space<hbm>>) target(%dma_start3A_391 : memref<1x8x32xf32, #tpu.memory_space<vmem>>) target_semaphore(%arg7 : memref<!tpu.dma_semaphore, #tpu.memory_space<semaphore_mem>>)
    %slice3A_395 = vector.extract_strided_slice %shift_right_logical3A_266 {offsets = [8], sizes = [1], strides = [1]} : vector<16xi32> to vector<1xi32>
    %squeeze3A_396 = vector.extract %slice3A_395[0] : i32 from vector<1xi32>
    %dma_start3A_397 = arith.constant 24 : i32
    %dma_start3A_398 = arith.constant 0 : i32
    %dma_start3A_399 = arith.constant 0 : i32
    %dma_start3A_400 = tpu.memref_slice %arg6[%dma_start3A_397, %dma_start3A_398, %dma_start3A_399] : memref<32x8x32xf32, #tpu.memory_space<vmem>> -> memref<1x8x32xf32, #tpu.memory_space<vmem>>
    %dma_start3A_401 = arith.constant 0 : i32
    %dma_start3A_402 = arith.constant 0 : i32
    %dma_start3A_403 = tpu.memref_slice %arg2[%squeeze3A_396, %dma_start3A_401, %dma_start3A_402] : memref<12500x8x32xf32, #tpu.memory_space<hbm>> -> memref<1x8x32xf32, #tpu.memory_space<hbm>>
    %dma_start3A_404 = arith.constant 24 : i32
    %dma_start3A_405 = arith.constant 0 : i32
    %dma_start3A_406 = arith.constant 0 : i32
    %dma_start3A_407 = tpu.memref_slice %arg6[%dma_start3A_404, %dma_start3A_405, %dma_start3A_406] : memref<32x8x32xf32, #tpu.memory_space<vmem>> -> memref<1x8x32xf32, #tpu.memory_space<vmem>>
    %dma_start3A_408 = arith.constant 0 : i32
    %dma_start3A_409 = arith.constant 0 : i32
    %dma_start3A_410 = tpu.memref_slice %arg2[%squeeze3A_396, %dma_start3A_408, %dma_start3A_409] : memref<12500x8x32xf32, #tpu.memory_space<hbm>> -> memref<1x8x32xf32, #tpu.memory_space<hbm>>
    tpu.enqueue_dma source(%dma_start3A_410 : memref<1x8x32xf32, #tpu.memory_space<hbm>>) target(%dma_start3A_407 : memref<1x8x32xf32, #tpu.memory_space<vmem>>) target_semaphore(%arg7 : memref<!tpu.dma_semaphore, #tpu.memory_space<semaphore_mem>>)
    %slice3A_411 = vector.extract_strided_slice %shift_right_logical3A_266 {offsets = [9], sizes = [1], strides = [1]} : vector<16xi32> to vector<1xi32>
    %squeeze3A_412 = vector.extract %slice3A_411[0] : i32 from vector<1xi32>
    %dma_start3A_413 = arith.constant 25 : i32
    %dma_start3A_414 = arith.constant 0 : i32
    %dma_start3A_415 = arith.constant 0 : i32
    %dma_start3A_416 = tpu.memref_slice %arg6[%dma_start3A_413, %dma_start3A_414, %dma_start3A_415] : memref<32x8x32xf32, #tpu.memory_space<vmem>> -> memref<1x8x32xf32, #tpu.memory_space<vmem>>
    %dma_start3A_417 = arith.constant 0 : i32
    %dma_start3A_418 = arith.constant 0 : i32
    %dma_start3A_419 = tpu.memref_slice %arg2[%squeeze3A_412, %dma_start3A_417, %dma_start3A_418] : memref<12500x8x32xf32, #tpu.memory_space<hbm>> -> memref<1x8x32xf32, #tpu.memory_space<hbm>>
    %dma_start3A_420 = arith.constant 25 : i32
    %dma_start3A_421 = arith.constant 0 : i32
    %dma_start3A_422 = arith.constant 0 : i32
    %dma_start3A_423 = tpu.memref_slice %arg6[%dma_start3A_420, %dma_start3A_421, %dma_start3A_422] : memref<32x8x32xf32, #tpu.memory_space<vmem>> -> memref<1x8x32xf32, #tpu.memory_space<vmem>>
    %dma_start3A_424 = arith.constant 0 : i32
    %dma_start3A_425 = arith.constant 0 : i32
    %dma_start3A_426 = tpu.memref_slice %arg2[%squeeze3A_412, %dma_start3A_424, %dma_start3A_425] : memref<12500x8x32xf32, #tpu.memory_space<hbm>> -> memref<1x8x32xf32, #tpu.memory_space<hbm>>
    tpu.enqueue_dma source(%dma_start3A_426 : memref<1x8x32xf32, #tpu.memory_space<hbm>>) target(%dma_start3A_423 : memref<1x8x32xf32, #tpu.memory_space<vmem>>) target_semaphore(%arg7 : memref<!tpu.dma_semaphore, #tpu.memory_space<semaphore_mem>>)
    %slice3A_427 = vector.extract_strided_slice %shift_right_logical3A_266 {offsets = [10], sizes = [1], strides = [1]} : vector<16xi32> to vector<1xi32>
    %squeeze3A_428 = vector.extract %slice3A_427[0] : i32 from vector<1xi32>
    %dma_start3A_429 = arith.constant 26 : i32
    %dma_start3A_430 = arith.constant 0 : i32
    %dma_start3A_431 = arith.constant 0 : i32
    %dma_start3A_432 = tpu.memref_slice %arg6[%dma_start3A_429, %dma_start3A_430, %dma_start3A_431] : memref<32x8x32xf32, #tpu.memory_space<vmem>> -> memref<1x8x32xf32, #tpu.memory_space<vmem>>
    %dma_start3A_433 = arith.constant 0 : i32
    %dma_start3A_434 = arith.constant 0 : i32
    %dma_start3A_435 = tpu.memref_slice %arg2[%squeeze3A_428, %dma_start3A_433, %dma_start3A_434] : memref<12500x8x32xf32, #tpu.memory_space<hbm>> -> memref<1x8x32xf32, #tpu.memory_space<hbm>>
    %dma_start3A_436 = arith.constant 26 : i32
    %dma_start3A_437 = arith.constant 0 : i32
    %dma_start3A_438 = arith.constant 0 : i32
    %dma_start3A_439 = tpu.memref_slice %arg6[%dma_start3A_436, %dma_start3A_437, %dma_start3A_438] : memref<32x8x32xf32, #tpu.memory_space<vmem>> -> memref<1x8x32xf32, #tpu.memory_space<vmem>>
    %dma_start3A_440 = arith.constant 0 : i32
    %dma_start3A_441 = arith.constant 0 : i32
    %dma_start3A_442 = tpu.memref_slice %arg2[%squeeze3A_428, %dma_start3A_440, %dma_start3A_441] : memref<12500x8x32xf32, #tpu.memory_space<hbm>> -> memref<1x8x32xf32, #tpu.memory_space<hbm>>
    tpu.enqueue_dma source(%dma_start3A_442 : memref<1x8x32xf32, #tpu.memory_space<hbm>>) target(%dma_start3A_439 : memref<1x8x32xf32, #tpu.memory_space<vmem>>) target_semaphore(%arg7 : memref<!tpu.dma_semaphore, #tpu.memory_space<semaphore_mem>>)
    %slice3A_443 = vector.extract_strided_slice %shift_right_logical3A_266 {offsets = [11], sizes = [1], strides = [1]} : vector<16xi32> to vector<1xi32>
    %squeeze3A_444 = vector.extract %slice3A_443[0] : i32 from vector<1xi32>
    %dma_start3A_445 = arith.constant 27 : i32
    %dma_start3A_446 = arith.constant 0 : i32
    %dma_start3A_447 = arith.constant 0 : i32
    %dma_start3A_448 = tpu.memref_slice %arg6[%dma_start3A_445, %dma_start3A_446, %dma_start3A_447] : memref<32x8x32xf32, #tpu.memory_space<vmem>> -> memref<1x8x32xf32, #tpu.memory_space<vmem>>
    %dma_start3A_449 = arith.constant 0 : i32
    %dma_start3A_450 = arith.constant 0 : i32
    %dma_start3A_451 = tpu.memref_slice %arg2[%squeeze3A_444, %dma_start3A_449, %dma_start3A_450] : memref<12500x8x32xf32, #tpu.memory_space<hbm>> -> memref<1x8x32xf32, #tpu.memory_space<hbm>>
    %dma_start3A_452 = arith.constant 27 : i32
    %dma_start3A_453 = arith.constant 0 : i32
    %dma_start3A_454 = arith.constant 0 : i32
    %dma_start3A_455 = tpu.memref_slice %arg6[%dma_start3A_452, %dma_start3A_453, %dma_start3A_454] : memref<32x8x32xf32, #tpu.memory_space<vmem>> -> memref<1x8x32xf32, #tpu.memory_space<vmem>>
    %dma_start3A_456 = arith.constant 0 : i32
    %dma_start3A_457 = arith.constant 0 : i32
    %dma_start3A_458 = tpu.memref_slice %arg2[%squeeze3A_444, %dma_start3A_456, %dma_start3A_457] : memref<12500x8x32xf32, #tpu.memory_space<hbm>> -> memref<1x8x32xf32, #tpu.memory_space<hbm>>
    tpu.enqueue_dma source(%dma_start3A_458 : memref<1x8x32xf32, #tpu.memory_space<hbm>>) target(%dma_start3A_455 : memref<1x8x32xf32, #tpu.memory_space<vmem>>) target_semaphore(%arg7 : memref<!tpu.dma_semaphore, #tpu.memory_space<semaphore_mem>>)
    %slice3A_459 = vector.extract_strided_slice %shift_right_logical3A_266 {offsets = [12], sizes = [1], strides = [1]} : vector<16xi32> to vector<1xi32>
    %squeeze3A_460 = vector.extract %slice3A_459[0] : i32 from vector<1xi32>
    %dma_start3A_461 = arith.constant 28 : i32
    %dma_start3A_462 = arith.constant 0 : i32
    %dma_start3A_463 = arith.constant 0 : i32
    %dma_start3A_464 = tpu.memref_slice %arg6[%dma_start3A_461, %dma_start3A_462, %dma_start3A_463] : memref<32x8x32xf32, #tpu.memory_space<vmem>> -> memref<1x8x32xf32, #tpu.memory_space<vmem>>
    %dma_start3A_465 = arith.constant 0 : i32
    %dma_start3A_466 = arith.constant 0 : i32
    %dma_start3A_467 = tpu.memref_slice %arg2[%squeeze3A_460, %dma_start3A_465, %dma_start3A_466] : memref<12500x8x32xf32, #tpu.memory_space<hbm>> -> memref<1x8x32xf32, #tpu.memory_space<hbm>>
    %dma_start3A_468 = arith.constant 28 : i32
    %dma_start3A_469 = arith.constant 0 : i32
    %dma_start3A_470 = arith.constant 0 : i32
    %dma_start3A_471 = tpu.memref_slice %arg6[%dma_start3A_468, %dma_start3A_469, %dma_start3A_470] : memref<32x8x32xf32, #tpu.memory_space<vmem>> -> memref<1x8x32xf32, #tpu.memory_space<vmem>>
    %dma_start3A_472 = arith.constant 0 : i32
    %dma_start3A_473 = arith.constant 0 : i32
    %dma_start3A_474 = tpu.memref_slice %arg2[%squeeze3A_460, %dma_start3A_472, %dma_start3A_473] : memref<12500x8x32xf32, #tpu.memory_space<hbm>> -> memref<1x8x32xf32, #tpu.memory_space<hbm>>
    tpu.enqueue_dma source(%dma_start3A_474 : memref<1x8x32xf32, #tpu.memory_space<hbm>>) target(%dma_start3A_471 : memref<1x8x32xf32, #tpu.memory_space<vmem>>) target_semaphore(%arg7 : memref<!tpu.dma_semaphore, #tpu.memory_space<semaphore_mem>>)
    %slice3A_475 = vector.extract_strided_slice %shift_right_logical3A_266 {offsets = [13], sizes = [1], strides = [1]} : vector<16xi32> to vector<1xi32>
    %squeeze3A_476 = vector.extract %slice3A_475[0] : i32 from vector<1xi32>
    %dma_start3A_477 = arith.constant 29 : i32
    %dma_start3A_478 = arith.constant 0 : i32
    %dma_start3A_479 = arith.constant 0 : i32
    %dma_start3A_480 = tpu.memref_slice %arg6[%dma_start3A_477, %dma_start3A_478, %dma_start3A_479] : memref<32x8x32xf32, #tpu.memory_space<vmem>> -> memref<1x8x32xf32, #tpu.memory_space<vmem>>
    %dma_start3A_481 = arith.constant 0 : i32
    %dma_start3A_482 = arith.constant 0 : i32
    %dma_start3A_483 = tpu.memref_slice %arg2[%squeeze3A_476, %dma_start3A_481, %dma_start3A_482] : memref<12500x8x32xf32, #tpu.memory_space<hbm>> -> memref<1x8x32xf32, #tpu.memory_space<hbm>>
    %dma_start3A_484 = arith.constant 29 : i32
    %dma_start3A_485 = arith.constant 0 : i32
    %dma_start3A_486 = arith.constant 0 : i32
    %dma_start3A_487 = tpu.memref_slice %arg6[%dma_start3A_484, %dma_start3A_485, %dma_start3A_486] : memref<32x8x32xf32, #tpu.memory_space<vmem>> -> memref<1x8x32xf32, #tpu.memory_space<vmem>>
    %dma_start3A_488 = arith.constant 0 : i32
    %dma_start3A_489 = arith.constant 0 : i32
    %dma_start3A_490 = tpu.memref_slice %arg2[%squeeze3A_476, %dma_start3A_488, %dma_start3A_489] : memref<12500x8x32xf32, #tpu.memory_space<hbm>> -> memref<1x8x32xf32, #tpu.memory_space<hbm>>
    tpu.enqueue_dma source(%dma_start3A_490 : memref<1x8x32xf32, #tpu.memory_space<hbm>>) target(%dma_start3A_487 : memref<1x8x32xf32, #tpu.memory_space<vmem>>) target_semaphore(%arg7 : memref<!tpu.dma_semaphore, #tpu.memory_space<semaphore_mem>>)
    %slice3A_491 = vector.extract_strided_slice %shift_right_logical3A_266 {offsets = [14], sizes = [1], strides = [1]} : vector<16xi32> to vector<1xi32>
    %squeeze3A_492 = vector.extract %slice3A_491[0] : i32 from vector<1xi32>
    %dma_start3A_493 = arith.constant 30 : i32
    %dma_start3A_494 = arith.constant 0 : i32
    %dma_start3A_495 = arith.constant 0 : i32
    %dma_start3A_496 = tpu.memref_slice %arg6[%dma_start3A_493, %dma_start3A_494, %dma_start3A_495] : memref<32x8x32xf32, #tpu.memory_space<vmem>> -> memref<1x8x32xf32, #tpu.memory_space<vmem>>
    %dma_start3A_497 = arith.constant 0 : i32
    %dma_start3A_498 = arith.constant 0 : i32
    %dma_start3A_499 = tpu.memref_slice %arg2[%squeeze3A_492, %dma_start3A_497, %dma_start3A_498] : memref<12500x8x32xf32, #tpu.memory_space<hbm>> -> memref<1x8x32xf32, #tpu.memory_space<hbm>>
    %dma_start3A_500 = arith.constant 30 : i32
    %dma_start3A_501 = arith.constant 0 : i32
    %dma_start3A_502 = arith.constant 0 : i32
    %dma_start3A_503 = tpu.memref_slice %arg6[%dma_start3A_500, %dma_start3A_501, %dma_start3A_502] : memref<32x8x32xf32, #tpu.memory_space<vmem>> -> memref<1x8x32xf32, #tpu.memory_space<vmem>>
    %dma_start3A_504 = arith.constant 0 : i32
    %dma_start3A_505 = arith.constant 0 : i32
    %dma_start3A_506 = tpu.memref_slice %arg2[%squeeze3A_492, %dma_start3A_504, %dma_start3A_505] : memref<12500x8x32xf32, #tpu.memory_space<hbm>> -> memref<1x8x32xf32, #tpu.memory_space<hbm>>
    tpu.enqueue_dma source(%dma_start3A_506 : memref<1x8x32xf32, #tpu.memory_space<hbm>>) target(%dma_start3A_503 : memref<1x8x32xf32, #tpu.memory_space<vmem>>) target_semaphore(%arg7 : memref<!tpu.dma_semaphore, #tpu.memory_space<semaphore_mem>>)
    %slice3A_507 = vector.extract_strided_slice %shift_right_logical3A_266 {offsets = [15], sizes = [1], strides = [1]} : vector<16xi32> to vector<1xi32>
    %squeeze3A_508 = vector.extract %slice3A_507[0] : i32 from vector<1xi32>
    %dma_start3A_509 = arith.constant 31 : i32
    %dma_start3A_510 = arith.constant 0 : i32
    %dma_start3A_511 = arith.constant 0 : i32
    %dma_start3A_512 = tpu.memref_slice %arg6[%dma_start3A_509, %dma_start3A_510, %dma_start3A_511] : memref<32x8x32xf32, #tpu.memory_space<vmem>> -> memref<1x8x32xf32, #tpu.memory_space<vmem>>
    %dma_start3A_513 = arith.constant 0 : i32
    %dma_start3A_514 = arith.constant 0 : i32
    %dma_start3A_515 = tpu.memref_slice %arg2[%squeeze3A_508, %dma_start3A_513, %dma_start3A_514] : memref<12500x8x32xf32, #tpu.memory_space<hbm>> -> memref<1x8x32xf32, #tpu.memory_space<hbm>>
    %dma_start3A_516 = arith.constant 31 : i32
    %dma_start3A_517 = arith.constant 0 : i32
    %dma_start3A_518 = arith.constant 0 : i32
    %dma_start3A_519 = tpu.memref_slice %arg6[%dma_start3A_516, %dma_start3A_517, %dma_start3A_518] : memref<32x8x32xf32, #tpu.memory_space<vmem>> -> memref<1x8x32xf32, #tpu.memory_space<vmem>>
    %dma_start3A_520 = arith.constant 0 : i32
    %dma_start3A_521 = arith.constant 0 : i32
    %dma_start3A_522 = tpu.memref_slice %arg2[%squeeze3A_508, %dma_start3A_520, %dma_start3A_521] : memref<12500x8x32xf32, #tpu.memory_space<hbm>> -> memref<1x8x32xf32, #tpu.memory_space<hbm>>
    tpu.enqueue_dma source(%dma_start3A_522 : memref<1x8x32xf32, #tpu.memory_space<hbm>>) target(%dma_start3A_519 : memref<1x8x32xf32, #tpu.memory_space<vmem>>) target_semaphore(%arg7 : memref<!tpu.dma_semaphore, #tpu.memory_space<semaphore_mem>>)
    %dma_wait3A = arith.constant 0 : i32
    %dma_wait3A_523 = arith.constant 0 : i32
    %dma_wait3A_524 = arith.constant 0 : i32
    %dma_wait3A_525 = tpu.memref_slice %arg6[%dma_wait3A, %dma_wait3A_523, %dma_wait3A_524] : memref<32x8x32xf32, #tpu.memory_space<vmem>> -> memref<1x8x32xf32, #tpu.memory_space<vmem>>
    %dma_wait3A_526 = arith.constant 0 : i32
    %dma_wait3A_527 = arith.constant 0 : i32
    %dma_wait3A_528 = tpu.memref_slice %arg2[%squeeze3A, %dma_wait3A_526, %dma_wait3A_527] : memref<12500x8x32xf32, #tpu.memory_space<hbm>> -> memref<1x8x32xf32, #tpu.memory_space<hbm>>
    %dma_wait3A_529 = arith.constant 0 : i32
    %dma_wait3A_530 = arith.constant 0 : i32
    %dma_wait3A_531 = arith.constant 0 : i32
    %dma_wait3A_532 = tpu.memref_slice %arg6[%dma_wait3A_529, %dma_wait3A_530, %dma_wait3A_531] : memref<32x8x32xf32, #tpu.memory_space<vmem>> -> memref<1x8x32xf32, #tpu.memory_space<vmem>>
    %dma_wait3A_533 = arith.constant 0 : i32
    %dma_wait3A_534 = arith.constant 0 : i32
    %dma_wait3A_535 = tpu.memref_slice %arg2[%squeeze3A, %dma_wait3A_533, %dma_wait3A_534] : memref<12500x8x32xf32, #tpu.memory_space<hbm>> -> memref<1x8x32xf32, #tpu.memory_space<hbm>>
    tpu.wait_dma2 semaphore(%arg7 : memref<!tpu.dma_semaphore, #tpu.memory_space<semaphore_mem>>) src(%dma_wait3A_535 : memref<1x8x32xf32, #tpu.memory_space<hbm>>) dst(%dma_wait3A_532 : memref<1x8x32xf32, #tpu.memory_space<vmem>>)
    %dma_wait3A_536 = arith.constant 1 : i32
    %dma_wait3A_537 = arith.constant 0 : i32
    %dma_wait3A_538 = arith.constant 0 : i32
    %dma_wait3A_539 = tpu.memref_slice %arg6[%dma_wait3A_536, %dma_wait3A_537, %dma_wait3A_538] : memref<32x8x32xf32, #tpu.memory_space<vmem>> -> memref<1x8x32xf32, #tpu.memory_space<vmem>>
    %dma_wait3A_540 = arith.constant 0 : i32
    %dma_wait3A_541 = arith.constant 0 : i32
    %dma_wait3A_542 = tpu.memref_slice %arg2[%squeeze3A_21, %dma_wait3A_540, %dma_wait3A_541] : memref<12500x8x32xf32, #tpu.memory_space<hbm>> -> memref<1x8x32xf32, #tpu.memory_space<hbm>>
    %dma_wait3A_543 = arith.constant 1 : i32
    %dma_wait3A_544 = arith.constant 0 : i32
    %dma_wait3A_545 = arith.constant 0 : i32
    %dma_wait3A_546 = tpu.memref_slice %arg6[%dma_wait3A_543, %dma_wait3A_544, %dma_wait3A_545] : memref<32x8x32xf32, #tpu.memory_space<vmem>> -> memref<1x8x32xf32, #tpu.memory_space<vmem>>
    %dma_wait3A_547 = arith.constant 0 : i32
    %dma_wait3A_548 = arith.constant 0 : i32
    %dma_wait3A_549 = tpu.memref_slice %arg2[%squeeze3A_21, %dma_wait3A_547, %dma_wait3A_548] : memref<12500x8x32xf32, #tpu.memory_space<hbm>> -> memref<1x8x32xf32, #tpu.memory_space<hbm>>
    tpu.wait_dma2 semaphore(%arg7 : memref<!tpu.dma_semaphore, #tpu.memory_space<semaphore_mem>>) src(%dma_wait3A_549 : memref<1x8x32xf32, #tpu.memory_space<hbm>>) dst(%dma_wait3A_546 : memref<1x8x32xf32, #tpu.memory_space<vmem>>)
    %dma_wait3A_550 = arith.constant 2 : i32
    %dma_wait3A_551 = arith.constant 0 : i32
    %dma_wait3A_552 = arith.constant 0 : i32
    %dma_wait3A_553 = tpu.memref_slice %arg6[%dma_wait3A_550, %dma_wait3A_551, %dma_wait3A_552] : memref<32x8x32xf32, #tpu.memory_space<vmem>> -> memref<1x8x32xf32, #tpu.memory_space<vmem>>
    %dma_wait3A_554 = arith.constant 0 : i32
    %dma_wait3A_555 = arith.constant 0 : i32
    %dma_wait3A_556 = tpu.memref_slice %arg2[%squeeze3A_37, %dma_wait3A_554, %dma_wait3A_555] : memref<12500x8x32xf32, #tpu.memory_space<hbm>> -> memref<1x8x32xf32, #tpu.memory_space<hbm>>
    %dma_wait3A_557 = arith.constant 2 : i32
    %dma_wait3A_558 = arith.constant 0 : i32
    %dma_wait3A_559 = arith.constant 0 : i32
    %dma_wait3A_560 = tpu.memref_slice %arg6[%dma_wait3A_557, %dma_wait3A_558, %dma_wait3A_559] : memref<32x8x32xf32, #tpu.memory_space<vmem>> -> memref<1x8x32xf32, #tpu.memory_space<vmem>>
    %dma_wait3A_561 = arith.constant 0 : i32
    %dma_wait3A_562 = arith.constant 0 : i32
    %dma_wait3A_563 = tpu.memref_slice %arg2[%squeeze3A_37, %dma_wait3A_561, %dma_wait3A_562] : memref<12500x8x32xf32, #tpu.memory_space<hbm>> -> memref<1x8x32xf32, #tpu.memory_space<hbm>>
    tpu.wait_dma2 semaphore(%arg7 : memref<!tpu.dma_semaphore, #tpu.memory_space<semaphore_mem>>) src(%dma_wait3A_563 : memref<1x8x32xf32, #tpu.memory_space<hbm>>) dst(%dma_wait3A_560 : memref<1x8x32xf32, #tpu.memory_space<vmem>>)
    %dma_wait3A_564 = arith.constant 3 : i32
    %dma_wait3A_565 = arith.constant 0 : i32
    %dma_wait3A_566 = arith.constant 0 : i32
    %dma_wait3A_567 = tpu.memref_slice %arg6[%dma_wait3A_564, %dma_wait3A_565, %dma_wait3A_566] : memref<32x8x32xf32, #tpu.memory_space<vmem>> -> memref<1x8x32xf32, #tpu.memory_space<vmem>>
    %dma_wait3A_568 = arith.constant 0 : i32
    %dma_wait3A_569 = arith.constant 0 : i32
    %dma_wait3A_570 = tpu.memref_slice %arg2[%squeeze3A_53, %dma_wait3A_568, %dma_wait3A_569] : memref<12500x8x32xf32, #tpu.memory_space<hbm>> -> memref<1x8x32xf32, #tpu.memory_space<hbm>>
    %dma_wait3A_571 = arith.constant 3 : i32
    %dma_wait3A_572 = arith.constant 0 : i32
    %dma_wait3A_573 = arith.constant 0 : i32
    %dma_wait3A_574 = tpu.memref_slice %arg6[%dma_wait3A_571, %dma_wait3A_572, %dma_wait3A_573] : memref<32x8x32xf32, #tpu.memory_space<vmem>> -> memref<1x8x32xf32, #tpu.memory_space<vmem>>
    %dma_wait3A_575 = arith.constant 0 : i32
    %dma_wait3A_576 = arith.constant 0 : i32
    %dma_wait3A_577 = tpu.memref_slice %arg2[%squeeze3A_53, %dma_wait3A_575, %dma_wait3A_576] : memref<12500x8x32xf32, #tpu.memory_space<hbm>> -> memref<1x8x32xf32, #tpu.memory_space<hbm>>
    tpu.wait_dma2 semaphore(%arg7 : memref<!tpu.dma_semaphore, #tpu.memory_space<semaphore_mem>>) src(%dma_wait3A_577 : memref<1x8x32xf32, #tpu.memory_space<hbm>>) dst(%dma_wait3A_574 : memref<1x8x32xf32, #tpu.memory_space<vmem>>)
    %dma_wait3A_578 = arith.constant 4 : i32
    %dma_wait3A_579 = arith.constant 0 : i32
    %dma_wait3A_580 = arith.constant 0 : i32
    %dma_wait3A_581 = tpu.memref_slice %arg6[%dma_wait3A_578, %dma_wait3A_579, %dma_wait3A_580] : memref<32x8x32xf32, #tpu.memory_space<vmem>> -> memref<1x8x32xf32, #tpu.memory_space<vmem>>
    %dma_wait3A_582 = arith.constant 0 : i32
    %dma_wait3A_583 = arith.constant 0 : i32
    %dma_wait3A_584 = tpu.memref_slice %arg2[%squeeze3A_69, %dma_wait3A_582, %dma_wait3A_583] : memref<12500x8x32xf32, #tpu.memory_space<hbm>> -> memref<1x8x32xf32, #tpu.memory_space<hbm>>
    %dma_wait3A_585 = arith.constant 4 : i32
    %dma_wait3A_586 = arith.constant 0 : i32
    %dma_wait3A_587 = arith.constant 0 : i32
    %dma_wait3A_588 = tpu.memref_slice %arg6[%dma_wait3A_585, %dma_wait3A_586, %dma_wait3A_587] : memref<32x8x32xf32, #tpu.memory_space<vmem>> -> memref<1x8x32xf32, #tpu.memory_space<vmem>>
    %dma_wait3A_589 = arith.constant 0 : i32
    %dma_wait3A_590 = arith.constant 0 : i32
    %dma_wait3A_591 = tpu.memref_slice %arg2[%squeeze3A_69, %dma_wait3A_589, %dma_wait3A_590] : memref<12500x8x32xf32, #tpu.memory_space<hbm>> -> memref<1x8x32xf32, #tpu.memory_space<hbm>>
    tpu.wait_dma2 semaphore(%arg7 : memref<!tpu.dma_semaphore, #tpu.memory_space<semaphore_mem>>) src(%dma_wait3A_591 : memref<1x8x32xf32, #tpu.memory_space<hbm>>) dst(%dma_wait3A_588 : memref<1x8x32xf32, #tpu.memory_space<vmem>>)
    %dma_wait3A_592 = arith.constant 5 : i32
    %dma_wait3A_593 = arith.constant 0 : i32
    %dma_wait3A_594 = arith.constant 0 : i32
    %dma_wait3A_595 = tpu.memref_slice %arg6[%dma_wait3A_592, %dma_wait3A_593, %dma_wait3A_594] : memref<32x8x32xf32, #tpu.memory_space<vmem>> -> memref<1x8x32xf32, #tpu.memory_space<vmem>>
    %dma_wait3A_596 = arith.constant 0 : i32
    %dma_wait3A_597 = arith.constant 0 : i32
    %dma_wait3A_598 = tpu.memref_slice %arg2[%squeeze3A_85, %dma_wait3A_596, %dma_wait3A_597] : memref<12500x8x32xf32, #tpu.memory_space<hbm>> -> memref<1x8x32xf32, #tpu.memory_space<hbm>>
    %dma_wait3A_599 = arith.constant 5 : i32
    %dma_wait3A_600 = arith.constant 0 : i32
    %dma_wait3A_601 = arith.constant 0 : i32
    %dma_wait3A_602 = tpu.memref_slice %arg6[%dma_wait3A_599, %dma_wait3A_600, %dma_wait3A_601] : memref<32x8x32xf32, #tpu.memory_space<vmem>> -> memref<1x8x32xf32, #tpu.memory_space<vmem>>
    %dma_wait3A_603 = arith.constant 0 : i32
    %dma_wait3A_604 = arith.constant 0 : i32
    %dma_wait3A_605 = tpu.memref_slice %arg2[%squeeze3A_85, %dma_wait3A_603, %dma_wait3A_604] : memref<12500x8x32xf32, #tpu.memory_space<hbm>> -> memref<1x8x32xf32, #tpu.memory_space<hbm>>
    tpu.wait_dma2 semaphore(%arg7 : memref<!tpu.dma_semaphore, #tpu.memory_space<semaphore_mem>>) src(%dma_wait3A_605 : memref<1x8x32xf32, #tpu.memory_space<hbm>>) dst(%dma_wait3A_602 : memref<1x8x32xf32, #tpu.memory_space<vmem>>)
    %dma_wait3A_606 = arith.constant 6 : i32
    %dma_wait3A_607 = arith.constant 0 : i32
    %dma_wait3A_608 = arith.constant 0 : i32
    %dma_wait3A_609 = tpu.memref_slice %arg6[%dma_wait3A_606, %dma_wait3A_607, %dma_wait3A_608] : memref<32x8x32xf32, #tpu.memory_space<vmem>> -> memref<1x8x32xf32, #tpu.memory_space<vmem>>
    %dma_wait3A_610 = arith.constant 0 : i32
    %dma_wait3A_611 = arith.constant 0 : i32
    %dma_wait3A_612 = tpu.memref_slice %arg2[%squeeze3A_101, %dma_wait3A_610, %dma_wait3A_611] : memref<12500x8x32xf32, #tpu.memory_space<hbm>> -> memref<1x8x32xf32, #tpu.memory_space<hbm>>
    %dma_wait3A_613 = arith.constant 6 : i32
    %dma_wait3A_614 = arith.constant 0 : i32
    %dma_wait3A_615 = arith.constant 0 : i32
    %dma_wait3A_616 = tpu.memref_slice %arg6[%dma_wait3A_613, %dma_wait3A_614, %dma_wait3A_615] : memref<32x8x32xf32, #tpu.memory_space<vmem>> -> memref<1x8x32xf32, #tpu.memory_space<vmem>>
    %dma_wait3A_617 = arith.constant 0 : i32
    %dma_wait3A_618 = arith.constant 0 : i32
    %dma_wait3A_619 = tpu.memref_slice %arg2[%squeeze3A_101, %dma_wait3A_617, %dma_wait3A_618] : memref<12500x8x32xf32, #tpu.memory_space<hbm>> -> memref<1x8x32xf32, #tpu.memory_space<hbm>>
    tpu.wait_dma2 semaphore(%arg7 : memref<!tpu.dma_semaphore, #tpu.memory_space<semaphore_mem>>) src(%dma_wait3A_619 : memref<1x8x32xf32, #tpu.memory_space<hbm>>) dst(%dma_wait3A_616 : memref<1x8x32xf32, #tpu.memory_space<vmem>>)
    %dma_wait3A_620 = arith.constant 7 : i32
    %dma_wait3A_621 = arith.constant 0 : i32
    %dma_wait3A_622 = arith.constant 0 : i32
    %dma_wait3A_623 = tpu.memref_slice %arg6[%dma_wait3A_620, %dma_wait3A_621, %dma_wait3A_622] : memref<32x8x32xf32, #tpu.memory_space<vmem>> -> memref<1x8x32xf32, #tpu.memory_space<vmem>>
    %dma_wait3A_624 = arith.constant 0 : i32
    %dma_wait3A_625 = arith.constant 0 : i32
    %dma_wait3A_626 = tpu.memref_slice %arg2[%squeeze3A_117, %dma_wait3A_624, %dma_wait3A_625] : memref<12500x8x32xf32, #tpu.memory_space<hbm>> -> memref<1x8x32xf32, #tpu.memory_space<hbm>>
    %dma_wait3A_627 = arith.constant 7 : i32
    %dma_wait3A_628 = arith.constant 0 : i32
    %dma_wait3A_629 = arith.constant 0 : i32
    %dma_wait3A_630 = tpu.memref_slice %arg6[%dma_wait3A_627, %dma_wait3A_628, %dma_wait3A_629] : memref<32x8x32xf32, #tpu.memory_space<vmem>> -> memref<1x8x32xf32, #tpu.memory_space<vmem>>
    %dma_wait3A_631 = arith.constant 0 : i32
    %dma_wait3A_632 = arith.constant 0 : i32
    %dma_wait3A_633 = tpu.memref_slice %arg2[%squeeze3A_117, %dma_wait3A_631, %dma_wait3A_632] : memref<12500x8x32xf32, #tpu.memory_space<hbm>> -> memref<1x8x32xf32, #tpu.memory_space<hbm>>
    tpu.wait_dma2 semaphore(%arg7 : memref<!tpu.dma_semaphore, #tpu.memory_space<semaphore_mem>>) src(%dma_wait3A_633 : memref<1x8x32xf32, #tpu.memory_space<hbm>>) dst(%dma_wait3A_630 : memref<1x8x32xf32, #tpu.memory_space<vmem>>)
    %dma_wait3A_634 = arith.constant 8 : i32
    %dma_wait3A_635 = arith.constant 0 : i32
    %dma_wait3A_636 = arith.constant 0 : i32
    %dma_wait3A_637 = tpu.memref_slice %arg6[%dma_wait3A_634, %dma_wait3A_635, %dma_wait3A_636] : memref<32x8x32xf32, #tpu.memory_space<vmem>> -> memref<1x8x32xf32, #tpu.memory_space<vmem>>
    %dma_wait3A_638 = arith.constant 0 : i32
    %dma_wait3A_639 = arith.constant 0 : i32
    %dma_wait3A_640 = tpu.memref_slice %arg2[%squeeze3A_133, %dma_wait3A_638, %dma_wait3A_639] : memref<12500x8x32xf32, #tpu.memory_space<hbm>> -> memref<1x8x32xf32, #tpu.memory_space<hbm>>
    %dma_wait3A_641 = arith.constant 8 : i32
    %dma_wait3A_642 = arith.constant 0 : i32
    %dma_wait3A_643 = arith.constant 0 : i32
    %dma_wait3A_644 = tpu.memref_slice %arg6[%dma_wait3A_641, %dma_wait3A_642, %dma_wait3A_643] : memref<32x8x32xf32, #tpu.memory_space<vmem>> -> memref<1x8x32xf32, #tpu.memory_space<vmem>>
    %dma_wait3A_645 = arith.constant 0 : i32
    %dma_wait3A_646 = arith.constant 0 : i32
    %dma_wait3A_647 = tpu.memref_slice %arg2[%squeeze3A_133, %dma_wait3A_645, %dma_wait3A_646] : memref<12500x8x32xf32, #tpu.memory_space<hbm>> -> memref<1x8x32xf32, #tpu.memory_space<hbm>>
    tpu.wait_dma2 semaphore(%arg7 : memref<!tpu.dma_semaphore, #tpu.memory_space<semaphore_mem>>) src(%dma_wait3A_647 : memref<1x8x32xf32, #tpu.memory_space<hbm>>) dst(%dma_wait3A_644 : memref<1x8x32xf32, #tpu.memory_space<vmem>>)
    %dma_wait3A_648 = arith.constant 9 : i32
    %dma_wait3A_649 = arith.constant 0 : i32
    %dma_wait3A_650 = arith.constant 0 : i32
    %dma_wait3A_651 = tpu.memref_slice %arg6[%dma_wait3A_648, %dma_wait3A_649, %dma_wait3A_650] : memref<32x8x32xf32, #tpu.memory_space<vmem>> -> memref<1x8x32xf32, #tpu.memory_space<vmem>>
    %dma_wait3A_652 = arith.constant 0 : i32
    %dma_wait3A_653 = arith.constant 0 : i32
    %dma_wait3A_654 = tpu.memref_slice %arg2[%squeeze3A_149, %dma_wait3A_652, %dma_wait3A_653] : memref<12500x8x32xf32, #tpu.memory_space<hbm>> -> memref<1x8x32xf32, #tpu.memory_space<hbm>>
    %dma_wait3A_655 = arith.constant 9 : i32
    %dma_wait3A_656 = arith.constant 0 : i32
    %dma_wait3A_657 = arith.constant 0 : i32
    %dma_wait3A_658 = tpu.memref_slice %arg6[%dma_wait3A_655, %dma_wait3A_656, %dma_wait3A_657] : memref<32x8x32xf32, #tpu.memory_space<vmem>> -> memref<1x8x32xf32, #tpu.memory_space<vmem>>
    %dma_wait3A_659 = arith.constant 0 : i32
    %dma_wait3A_660 = arith.constant 0 : i32
    %dma_wait3A_661 = tpu.memref_slice %arg2[%squeeze3A_149, %dma_wait3A_659, %dma_wait3A_660] : memref<12500x8x32xf32, #tpu.memory_space<hbm>> -> memref<1x8x32xf32, #tpu.memory_space<hbm>>
    tpu.wait_dma2 semaphore(%arg7 : memref<!tpu.dma_semaphore, #tpu.memory_space<semaphore_mem>>) src(%dma_wait3A_661 : memref<1x8x32xf32, #tpu.memory_space<hbm>>) dst(%dma_wait3A_658 : memref<1x8x32xf32, #tpu.memory_space<vmem>>)
    %dma_wait3A_662 = arith.constant 10 : i32
    %dma_wait3A_663 = arith.constant 0 : i32
    %dma_wait3A_664 = arith.constant 0 : i32
    %dma_wait3A_665 = tpu.memref_slice %arg6[%dma_wait3A_662, %dma_wait3A_663, %dma_wait3A_664] : memref<32x8x32xf32, #tpu.memory_space<vmem>> -> memref<1x8x32xf32, #tpu.memory_space<vmem>>
    %dma_wait3A_666 = arith.constant 0 : i32
    %dma_wait3A_667 = arith.constant 0 : i32
    %dma_wait3A_668 = tpu.memref_slice %arg2[%squeeze3A_165, %dma_wait3A_666, %dma_wait3A_667] : memref<12500x8x32xf32, #tpu.memory_space<hbm>> -> memref<1x8x32xf32, #tpu.memory_space<hbm>>
    %dma_wait3A_669 = arith.constant 10 : i32
    %dma_wait3A_670 = arith.constant 0 : i32
    %dma_wait3A_671 = arith.constant 0 : i32
    %dma_wait3A_672 = tpu.memref_slice %arg6[%dma_wait3A_669, %dma_wait3A_670, %dma_wait3A_671] : memref<32x8x32xf32, #tpu.memory_space<vmem>> -> memref<1x8x32xf32, #tpu.memory_space<vmem>>
    %dma_wait3A_673 = arith.constant 0 : i32
    %dma_wait3A_674 = arith.constant 0 : i32
    %dma_wait3A_675 = tpu.memref_slice %arg2[%squeeze3A_165, %dma_wait3A_673, %dma_wait3A_674] : memref<12500x8x32xf32, #tpu.memory_space<hbm>> -> memref<1x8x32xf32, #tpu.memory_space<hbm>>
    tpu.wait_dma2 semaphore(%arg7 : memref<!tpu.dma_semaphore, #tpu.memory_space<semaphore_mem>>) src(%dma_wait3A_675 : memref<1x8x32xf32, #tpu.memory_space<hbm>>) dst(%dma_wait3A_672 : memref<1x8x32xf32, #tpu.memory_space<vmem>>)
    %dma_wait3A_676 = arith.constant 11 : i32
    %dma_wait3A_677 = arith.constant 0 : i32
    %dma_wait3A_678 = arith.constant 0 : i32
    %dma_wait3A_679 = tpu.memref_slice %arg6[%dma_wait3A_676, %dma_wait3A_677, %dma_wait3A_678] : memref<32x8x32xf32, #tpu.memory_space<vmem>> -> memref<1x8x32xf32, #tpu.memory_space<vmem>>
    %dma_wait3A_680 = arith.constant 0 : i32
    %dma_wait3A_681 = arith.constant 0 : i32
    %dma_wait3A_682 = tpu.memref_slice %arg2[%squeeze3A_181, %dma_wait3A_680, %dma_wait3A_681] : memref<12500x8x32xf32, #tpu.memory_space<hbm>> -> memref<1x8x32xf32, #tpu.memory_space<hbm>>
    %dma_wait3A_683 = arith.constant 11 : i32
    %dma_wait3A_684 = arith.constant 0 : i32
    %dma_wait3A_685 = arith.constant 0 : i32
    %dma_wait3A_686 = tpu.memref_slice %arg6[%dma_wait3A_683, %dma_wait3A_684, %dma_wait3A_685] : memref<32x8x32xf32, #tpu.memory_space<vmem>> -> memref<1x8x32xf32, #tpu.memory_space<vmem>>
    %dma_wait3A_687 = arith.constant 0 : i32
    %dma_wait3A_688 = arith.constant 0 : i32
    %dma_wait3A_689 = tpu.memref_slice %arg2[%squeeze3A_181, %dma_wait3A_687, %dma_wait3A_688] : memref<12500x8x32xf32, #tpu.memory_space<hbm>> -> memref<1x8x32xf32, #tpu.memory_space<hbm>>
    tpu.wait_dma2 semaphore(%arg7 : memref<!tpu.dma_semaphore, #tpu.memory_space<semaphore_mem>>) src(%dma_wait3A_689 : memref<1x8x32xf32, #tpu.memory_space<hbm>>) dst(%dma_wait3A_686 : memref<1x8x32xf32, #tpu.memory_space<vmem>>)
    %dma_wait3A_690 = arith.constant 12 : i32
    %dma_wait3A_691 = arith.constant 0 : i32
    %dma_wait3A_692 = arith.constant 0 : i32
    %dma_wait3A_693 = tpu.memref_slice %arg6[%dma_wait3A_690, %dma_wait3A_691, %dma_wait3A_692] : memref<32x8x32xf32, #tpu.memory_space<vmem>> -> memref<1x8x32xf32, #tpu.memory_space<vmem>>
    %dma_wait3A_694 = arith.constant 0 : i32
    %dma_wait3A_695 = arith.constant 0 : i32
    %dma_wait3A_696 = tpu.memref_slice %arg2[%squeeze3A_197, %dma_wait3A_694, %dma_wait3A_695] : memref<12500x8x32xf32, #tpu.memory_space<hbm>> -> memref<1x8x32xf32, #tpu.memory_space<hbm>>
    %dma_wait3A_697 = arith.constant 12 : i32
    %dma_wait3A_698 = arith.constant 0 : i32
    %dma_wait3A_699 = arith.constant 0 : i32
    %dma_wait3A_700 = tpu.memref_slice %arg6[%dma_wait3A_697, %dma_wait3A_698, %dma_wait3A_699] : memref<32x8x32xf32, #tpu.memory_space<vmem>> -> memref<1x8x32xf32, #tpu.memory_space<vmem>>
    %dma_wait3A_701 = arith.constant 0 : i32
    %dma_wait3A_702 = arith.constant 0 : i32
    %dma_wait3A_703 = tpu.memref_slice %arg2[%squeeze3A_197, %dma_wait3A_701, %dma_wait3A_702] : memref<12500x8x32xf32, #tpu.memory_space<hbm>> -> memref<1x8x32xf32, #tpu.memory_space<hbm>>
    tpu.wait_dma2 semaphore(%arg7 : memref<!tpu.dma_semaphore, #tpu.memory_space<semaphore_mem>>) src(%dma_wait3A_703 : memref<1x8x32xf32, #tpu.memory_space<hbm>>) dst(%dma_wait3A_700 : memref<1x8x32xf32, #tpu.memory_space<vmem>>)
    %dma_wait3A_704 = arith.constant 13 : i32
    %dma_wait3A_705 = arith.constant 0 : i32
    %dma_wait3A_706 = arith.constant 0 : i32
    %dma_wait3A_707 = tpu.memref_slice %arg6[%dma_wait3A_704, %dma_wait3A_705, %dma_wait3A_706] : memref<32x8x32xf32, #tpu.memory_space<vmem>> -> memref<1x8x32xf32, #tpu.memory_space<vmem>>
    %dma_wait3A_708 = arith.constant 0 : i32
    %dma_wait3A_709 = arith.constant 0 : i32
    %dma_wait3A_710 = tpu.memref_slice %arg2[%squeeze3A_213, %dma_wait3A_708, %dma_wait3A_709] : memref<12500x8x32xf32, #tpu.memory_space<hbm>> -> memref<1x8x32xf32, #tpu.memory_space<hbm>>
    %dma_wait3A_711 = arith.constant 13 : i32
    %dma_wait3A_712 = arith.constant 0 : i32
    %dma_wait3A_713 = arith.constant 0 : i32
    %dma_wait3A_714 = tpu.memref_slice %arg6[%dma_wait3A_711, %dma_wait3A_712, %dma_wait3A_713] : memref<32x8x32xf32, #tpu.memory_space<vmem>> -> memref<1x8x32xf32, #tpu.memory_space<vmem>>
    %dma_wait3A_715 = arith.constant 0 : i32
    %dma_wait3A_716 = arith.constant 0 : i32
    %dma_wait3A_717 = tpu.memref_slice %arg2[%squeeze3A_213, %dma_wait3A_715, %dma_wait3A_716] : memref<12500x8x32xf32, #tpu.memory_space<hbm>> -> memref<1x8x32xf32, #tpu.memory_space<hbm>>
    tpu.wait_dma2 semaphore(%arg7 : memref<!tpu.dma_semaphore, #tpu.memory_space<semaphore_mem>>) src(%dma_wait3A_717 : memref<1x8x32xf32, #tpu.memory_space<hbm>>) dst(%dma_wait3A_714 : memref<1x8x32xf32, #tpu.memory_space<vmem>>)
    %dma_wait3A_718 = arith.constant 14 : i32
    %dma_wait3A_719 = arith.constant 0 : i32
    %dma_wait3A_720 = arith.constant 0 : i32
    %dma_wait3A_721 = tpu.memref_slice %arg6[%dma_wait3A_718, %dma_wait3A_719, %dma_wait3A_720] : memref<32x8x32xf32, #tpu.memory_space<vmem>> -> memref<1x8x32xf32, #tpu.memory_space<vmem>>
    %dma_wait3A_722 = arith.constant 0 : i32
    %dma_wait3A_723 = arith.constant 0 : i32
    %dma_wait3A_724 = tpu.memref_slice %arg2[%squeeze3A_229, %dma_wait3A_722, %dma_wait3A_723] : memref<12500x8x32xf32, #tpu.memory_space<hbm>> -> memref<1x8x32xf32, #tpu.memory_space<hbm>>
    %dma_wait3A_725 = arith.constant 14 : i32
    %dma_wait3A_726 = arith.constant 0 : i32
    %dma_wait3A_727 = arith.constant 0 : i32
    %dma_wait3A_728 = tpu.memref_slice %arg6[%dma_wait3A_725, %dma_wait3A_726, %dma_wait3A_727] : memref<32x8x32xf32, #tpu.memory_space<vmem>> -> memref<1x8x32xf32, #tpu.memory_space<vmem>>
    %dma_wait3A_729 = arith.constant 0 : i32
    %dma_wait3A_730 = arith.constant 0 : i32
    %dma_wait3A_731 = tpu.memref_slice %arg2[%squeeze3A_229, %dma_wait3A_729, %dma_wait3A_730] : memref<12500x8x32xf32, #tpu.memory_space<hbm>> -> memref<1x8x32xf32, #tpu.memory_space<hbm>>
    tpu.wait_dma2 semaphore(%arg7 : memref<!tpu.dma_semaphore, #tpu.memory_space<semaphore_mem>>) src(%dma_wait3A_731 : memref<1x8x32xf32, #tpu.memory_space<hbm>>) dst(%dma_wait3A_728 : memref<1x8x32xf32, #tpu.memory_space<vmem>>)
    %dma_wait3A_732 = arith.constant 15 : i32
    %dma_wait3A_733 = arith.constant 0 : i32
    %dma_wait3A_734 = arith.constant 0 : i32
    %dma_wait3A_735 = tpu.memref_slice %arg6[%dma_wait3A_732, %dma_wait3A_733, %dma_wait3A_734] : memref<32x8x32xf32, #tpu.memory_space<vmem>> -> memref<1x8x32xf32, #tpu.memory_space<vmem>>
    %dma_wait3A_736 = arith.constant 0 : i32
    %dma_wait3A_737 = arith.constant 0 : i32
    %dma_wait3A_738 = tpu.memref_slice %arg2[%squeeze3A_245, %dma_wait3A_736, %dma_wait3A_737] : memref<12500x8x32xf32, #tpu.memory_space<hbm>> -> memref<1x8x32xf32, #tpu.memory_space<hbm>>
    %dma_wait3A_739 = arith.constant 15 : i32
    %dma_wait3A_740 = arith.constant 0 : i32
    %dma_wait3A_741 = arith.constant 0 : i32
    %dma_wait3A_742 = tpu.memref_slice %arg6[%dma_wait3A_739, %dma_wait3A_740, %dma_wait3A_741] : memref<32x8x32xf32, #tpu.memory_space<vmem>> -> memref<1x8x32xf32, #tpu.memory_space<vmem>>
    %dma_wait3A_743 = arith.constant 0 : i32
    %dma_wait3A_744 = arith.constant 0 : i32
    %dma_wait3A_745 = tpu.memref_slice %arg2[%squeeze3A_245, %dma_wait3A_743, %dma_wait3A_744] : memref<12500x8x32xf32, #tpu.memory_space<hbm>> -> memref<1x8x32xf32, #tpu.memory_space<hbm>>
    tpu.wait_dma2 semaphore(%arg7 : memref<!tpu.dma_semaphore, #tpu.memory_space<semaphore_mem>>) src(%dma_wait3A_745 : memref<1x8x32xf32, #tpu.memory_space<hbm>>) dst(%dma_wait3A_742 : memref<1x8x32xf32, #tpu.memory_space<vmem>>)
    %dma_wait3A_746 = arith.constant 16 : i32
    %dma_wait3A_747 = arith.constant 0 : i32
    %dma_wait3A_748 = arith.constant 0 : i32
    %dma_wait3A_749 = tpu.memref_slice %arg6[%dma_wait3A_746, %dma_wait3A_747, %dma_wait3A_748] : memref<32x8x32xf32, #tpu.memory_space<vmem>> -> memref<1x8x32xf32, #tpu.memory_space<vmem>>
    %dma_wait3A_750 = arith.constant 0 : i32
    %dma_wait3A_751 = arith.constant 0 : i32
    %dma_wait3A_752 = tpu.memref_slice %arg2[%squeeze3A_268, %dma_wait3A_750, %dma_wait3A_751] : memref<12500x8x32xf32, #tpu.memory_space<hbm>> -> memref<1x8x32xf32, #tpu.memory_space<hbm>>
    %dma_wait3A_753 = arith.constant 16 : i32
    %dma_wait3A_754 = arith.constant 0 : i32
    %dma_wait3A_755 = arith.constant 0 : i32
    %dma_wait3A_756 = tpu.memref_slice %arg6[%dma_wait3A_753, %dma_wait3A_754, %dma_wait3A_755] : memref<32x8x32xf32, #tpu.memory_space<vmem>> -> memref<1x8x32xf32, #tpu.memory_space<vmem>>
    %dma_wait3A_757 = arith.constant 0 : i32
    %dma_wait3A_758 = arith.constant 0 : i32
    %dma_wait3A_759 = tpu.memref_slice %arg2[%squeeze3A_268, %dma_wait3A_757, %dma_wait3A_758] : memref<12500x8x32xf32, #tpu.memory_space<hbm>> -> memref<1x8x32xf32, #tpu.memory_space<hbm>>
    tpu.wait_dma2 semaphore(%arg7 : memref<!tpu.dma_semaphore, #tpu.memory_space<semaphore_mem>>) src(%dma_wait3A_759 : memref<1x8x32xf32, #tpu.memory_space<hbm>>) dst(%dma_wait3A_756 : memref<1x8x32xf32, #tpu.memory_space<vmem>>)
    %dma_wait3A_760 = arith.constant 17 : i32
    %dma_wait3A_761 = arith.constant 0 : i32
    %dma_wait3A_762 = arith.constant 0 : i32
    %dma_wait3A_763 = tpu.memref_slice %arg6[%dma_wait3A_760, %dma_wait3A_761, %dma_wait3A_762] : memref<32x8x32xf32, #tpu.memory_space<vmem>> -> memref<1x8x32xf32, #tpu.memory_space<vmem>>
    %dma_wait3A_764 = arith.constant 0 : i32
    %dma_wait3A_765 = arith.constant 0 : i32
    %dma_wait3A_766 = tpu.memref_slice %arg2[%squeeze3A_284, %dma_wait3A_764, %dma_wait3A_765] : memref<12500x8x32xf32, #tpu.memory_space<hbm>> -> memref<1x8x32xf32, #tpu.memory_space<hbm>>
    %dma_wait3A_767 = arith.constant 17 : i32
    %dma_wait3A_768 = arith.constant 0 : i32
    %dma_wait3A_769 = arith.constant 0 : i32
    %dma_wait3A_770 = tpu.memref_slice %arg6[%dma_wait3A_767, %dma_wait3A_768, %dma_wait3A_769] : memref<32x8x32xf32, #tpu.memory_space<vmem>> -> memref<1x8x32xf32, #tpu.memory_space<vmem>>
    %dma_wait3A_771 = arith.constant 0 : i32
    %dma_wait3A_772 = arith.constant 0 : i32
    %dma_wait3A_773 = tpu.memref_slice %arg2[%squeeze3A_284, %dma_wait3A_771, %dma_wait3A_772] : memref<12500x8x32xf32, #tpu.memory_space<hbm>> -> memref<1x8x32xf32, #tpu.memory_space<hbm>>
    tpu.wait_dma2 semaphore(%arg7 : memref<!tpu.dma_semaphore, #tpu.memory_space<semaphore_mem>>) src(%dma_wait3A_773 : memref<1x8x32xf32, #tpu.memory_space<hbm>>) dst(%dma_wait3A_770 : memref<1x8x32xf32, #tpu.memory_space<vmem>>)
    %dma_wait3A_774 = arith.constant 18 : i32
    %dma_wait3A_775 = arith.constant 0 : i32
    %dma_wait3A_776 = arith.constant 0 : i32
    %dma_wait3A_777 = tpu.memref_slice %arg6[%dma_wait3A_774, %dma_wait3A_775, %dma_wait3A_776] : memref<32x8x32xf32, #tpu.memory_space<vmem>> -> memref<1x8x32xf32, #tpu.memory_space<vmem>>
    %dma_wait3A_778 = arith.constant 0 : i32
    %dma_wait3A_779 = arith.constant 0 : i32
    %dma_wait3A_780 = tpu.memref_slice %arg2[%squeeze3A_300, %dma_wait3A_778, %dma_wait3A_779] : memref<12500x8x32xf32, #tpu.memory_space<hbm>> -> memref<1x8x32xf32, #tpu.memory_space<hbm>>
    %dma_wait3A_781 = arith.constant 18 : i32
    %dma_wait3A_782 = arith.constant 0 : i32
    %dma_wait3A_783 = arith.constant 0 : i32
    %dma_wait3A_784 = tpu.memref_slice %arg6[%dma_wait3A_781, %dma_wait3A_782, %dma_wait3A_783] : memref<32x8x32xf32, #tpu.memory_space<vmem>> -> memref<1x8x32xf32, #tpu.memory_space<vmem>>
    %dma_wait3A_785 = arith.constant 0 : i32
    %dma_wait3A_786 = arith.constant 0 : i32
    %dma_wait3A_787 = tpu.memref_slice %arg2[%squeeze3A_300, %dma_wait3A_785, %dma_wait3A_786] : memref<12500x8x32xf32, #tpu.memory_space<hbm>> -> memref<1x8x32xf32, #tpu.memory_space<hbm>>
    tpu.wait_dma2 semaphore(%arg7 : memref<!tpu.dma_semaphore, #tpu.memory_space<semaphore_mem>>) src(%dma_wait3A_787 : memref<1x8x32xf32, #tpu.memory_space<hbm>>) dst(%dma_wait3A_784 : memref<1x8x32xf32, #tpu.memory_space<vmem>>)
    %dma_wait3A_788 = arith.constant 19 : i32
    %dma_wait3A_789 = arith.constant 0 : i32
    %dma_wait3A_790 = arith.constant 0 : i32
    %dma_wait3A_791 = tpu.memref_slice %arg6[%dma_wait3A_788, %dma_wait3A_789, %dma_wait3A_790] : memref<32x8x32xf32, #tpu.memory_space<vmem>> -> memref<1x8x32xf32, #tpu.memory_space<vmem>>
    %dma_wait3A_792 = arith.constant 0 : i32
    %dma_wait3A_793 = arith.constant 0 : i32
    %dma_wait3A_794 = tpu.memref_slice %arg2[%squeeze3A_316, %dma_wait3A_792, %dma_wait3A_793] : memref<12500x8x32xf32, #tpu.memory_space<hbm>> -> memref<1x8x32xf32, #tpu.memory_space<hbm>>
    %dma_wait3A_795 = arith.constant 19 : i32
    %dma_wait3A_796 = arith.constant 0 : i32
    %dma_wait3A_797 = arith.constant 0 : i32
    %dma_wait3A_798 = tpu.memref_slice %arg6[%dma_wait3A_795, %dma_wait3A_796, %dma_wait3A_797] : memref<32x8x32xf32, #tpu.memory_space<vmem>> -> memref<1x8x32xf32, #tpu.memory_space<vmem>>
    %dma_wait3A_799 = arith.constant 0 : i32
    %dma_wait3A_800 = arith.constant 0 : i32
    %dma_wait3A_801 = tpu.memref_slice %arg2[%squeeze3A_316, %dma_wait3A_799, %dma_wait3A_800] : memref<12500x8x32xf32, #tpu.memory_space<hbm>> -> memref<1x8x32xf32, #tpu.memory_space<hbm>>
    tpu.wait_dma2 semaphore(%arg7 : memref<!tpu.dma_semaphore, #tpu.memory_space<semaphore_mem>>) src(%dma_wait3A_801 : memref<1x8x32xf32, #tpu.memory_space<hbm>>) dst(%dma_wait3A_798 : memref<1x8x32xf32, #tpu.memory_space<vmem>>)
    %dma_wait3A_802 = arith.constant 20 : i32
    %dma_wait3A_803 = arith.constant 0 : i32
    %dma_wait3A_804 = arith.constant 0 : i32
    %dma_wait3A_805 = tpu.memref_slice %arg6[%dma_wait3A_802, %dma_wait3A_803, %dma_wait3A_804] : memref<32x8x32xf32, #tpu.memory_space<vmem>> -> memref<1x8x32xf32, #tpu.memory_space<vmem>>
    %dma_wait3A_806 = arith.constant 0 : i32
    %dma_wait3A_807 = arith.constant 0 : i32
    %dma_wait3A_808 = tpu.memref_slice %arg2[%squeeze3A_332, %dma_wait3A_806, %dma_wait3A_807] : memref<12500x8x32xf32, #tpu.memory_space<hbm>> -> memref<1x8x32xf32, #tpu.memory_space<hbm>>
    %dma_wait3A_809 = arith.constant 20 : i32
    %dma_wait3A_810 = arith.constant 0 : i32
    %dma_wait3A_811 = arith.constant 0 : i32
    %dma_wait3A_812 = tpu.memref_slice %arg6[%dma_wait3A_809, %dma_wait3A_810, %dma_wait3A_811] : memref<32x8x32xf32, #tpu.memory_space<vmem>> -> memref<1x8x32xf32, #tpu.memory_space<vmem>>
    %dma_wait3A_813 = arith.constant 0 : i32
    %dma_wait3A_814 = arith.constant 0 : i32
    %dma_wait3A_815 = tpu.memref_slice %arg2[%squeeze3A_332, %dma_wait3A_813, %dma_wait3A_814] : memref<12500x8x32xf32, #tpu.memory_space<hbm>> -> memref<1x8x32xf32, #tpu.memory_space<hbm>>
    tpu.wait_dma2 semaphore(%arg7 : memref<!tpu.dma_semaphore, #tpu.memory_space<semaphore_mem>>) src(%dma_wait3A_815 : memref<1x8x32xf32, #tpu.memory_space<hbm>>) dst(%dma_wait3A_812 : memref<1x8x32xf32, #tpu.memory_space<vmem>>)
    %dma_wait3A_816 = arith.constant 21 : i32
    %dma_wait3A_817 = arith.constant 0 : i32
    %dma_wait3A_818 = arith.constant 0 : i32
    %dma_wait3A_819 = tpu.memref_slice %arg6[%dma_wait3A_816, %dma_wait3A_817, %dma_wait3A_818] : memref<32x8x32xf32, #tpu.memory_space<vmem>> -> memref<1x8x32xf32, #tpu.memory_space<vmem>>
    %dma_wait3A_820 = arith.constant 0 : i32
    %dma_wait3A_821 = arith.constant 0 : i32
    %dma_wait3A_822 = tpu.memref_slice %arg2[%squeeze3A_348, %dma_wait3A_820, %dma_wait3A_821] : memref<12500x8x32xf32, #tpu.memory_space<hbm>> -> memref<1x8x32xf32, #tpu.memory_space<hbm>>
    %dma_wait3A_823 = arith.constant 21 : i32
    %dma_wait3A_824 = arith.constant 0 : i32
    %dma_wait3A_825 = arith.constant 0 : i32
    %dma_wait3A_826 = tpu.memref_slice %arg6[%dma_wait3A_823, %dma_wait3A_824, %dma_wait3A_825] : memref<32x8x32xf32, #tpu.memory_space<vmem>> -> memref<1x8x32xf32, #tpu.memory_space<vmem>>
    %dma_wait3A_827 = arith.constant 0 : i32
    %dma_wait3A_828 = arith.constant 0 : i32
    %dma_wait3A_829 = tpu.memref_slice %arg2[%squeeze3A_348, %dma_wait3A_827, %dma_wait3A_828] : memref<12500x8x32xf32, #tpu.memory_space<hbm>> -> memref<1x8x32xf32, #tpu.memory_space<hbm>>
    tpu.wait_dma2 semaphore(%arg7 : memref<!tpu.dma_semaphore, #tpu.memory_space<semaphore_mem>>) src(%dma_wait3A_829 : memref<1x8x32xf32, #tpu.memory_space<hbm>>) dst(%dma_wait3A_826 : memref<1x8x32xf32, #tpu.memory_space<vmem>>)
    %dma_wait3A_830 = arith.constant 22 : i32
    %dma_wait3A_831 = arith.constant 0 : i32
    %dma_wait3A_832 = arith.constant 0 : i32
    %dma_wait3A_833 = tpu.memref_slice %arg6[%dma_wait3A_830, %dma_wait3A_831, %dma_wait3A_832] : memref<32x8x32xf32, #tpu.memory_space<vmem>> -> memref<1x8x32xf32, #tpu.memory_space<vmem>>
    %dma_wait3A_834 = arith.constant 0 : i32
    %dma_wait3A_835 = arith.constant 0 : i32
    %dma_wait3A_836 = tpu.memref_slice %arg2[%squeeze3A_364, %dma_wait3A_834, %dma_wait3A_835] : memref<12500x8x32xf32, #tpu.memory_space<hbm>> -> memref<1x8x32xf32, #tpu.memory_space<hbm>>
    %dma_wait3A_837 = arith.constant 22 : i32
    %dma_wait3A_838 = arith.constant 0 : i32
    %dma_wait3A_839 = arith.constant 0 : i32
    %dma_wait3A_840 = tpu.memref_slice %arg6[%dma_wait3A_837, %dma_wait3A_838, %dma_wait3A_839] : memref<32x8x32xf32, #tpu.memory_space<vmem>> -> memref<1x8x32xf32, #tpu.memory_space<vmem>>
    %dma_wait3A_841 = arith.constant 0 : i32
    %dma_wait3A_842 = arith.constant 0 : i32
    %dma_wait3A_843 = tpu.memref_slice %arg2[%squeeze3A_364, %dma_wait3A_841, %dma_wait3A_842] : memref<12500x8x32xf32, #tpu.memory_space<hbm>> -> memref<1x8x32xf32, #tpu.memory_space<hbm>>
    tpu.wait_dma2 semaphore(%arg7 : memref<!tpu.dma_semaphore, #tpu.memory_space<semaphore_mem>>) src(%dma_wait3A_843 : memref<1x8x32xf32, #tpu.memory_space<hbm>>) dst(%dma_wait3A_840 : memref<1x8x32xf32, #tpu.memory_space<vmem>>)
    %dma_wait3A_844 = arith.constant 23 : i32
    %dma_wait3A_845 = arith.constant 0 : i32
    %dma_wait3A_846 = arith.constant 0 : i32
    %dma_wait3A_847 = tpu.memref_slice %arg6[%dma_wait3A_844, %dma_wait3A_845, %dma_wait3A_846] : memref<32x8x32xf32, #tpu.memory_space<vmem>> -> memref<1x8x32xf32, #tpu.memory_space<vmem>>
    %dma_wait3A_848 = arith.constant 0 : i32
    %dma_wait3A_849 = arith.constant 0 : i32
    %dma_wait3A_850 = tpu.memref_slice %arg2[%squeeze3A_380, %dma_wait3A_848, %dma_wait3A_849] : memref<12500x8x32xf32, #tpu.memory_space<hbm>> -> memref<1x8x32xf32, #tpu.memory_space<hbm>>
    %dma_wait3A_851 = arith.constant 23 : i32
    %dma_wait3A_852 = arith.constant 0 : i32
    %dma_wait3A_853 = arith.constant 0 : i32
    %dma_wait3A_854 = tpu.memref_slice %arg6[%dma_wait3A_851, %dma_wait3A_852, %dma_wait3A_853] : memref<32x8x32xf32, #tpu.memory_space<vmem>> -> memref<1x8x32xf32, #tpu.memory_space<vmem>>
    %dma_wait3A_855 = arith.constant 0 : i32
    %dma_wait3A_856 = arith.constant 0 : i32
    %dma_wait3A_857 = tpu.memref_slice %arg2[%squeeze3A_380, %dma_wait3A_855, %dma_wait3A_856] : memref<12500x8x32xf32, #tpu.memory_space<hbm>> -> memref<1x8x32xf32, #tpu.memory_space<hbm>>
    tpu.wait_dma2 semaphore(%arg7 : memref<!tpu.dma_semaphore, #tpu.memory_space<semaphore_mem>>) src(%dma_wait3A_857 : memref<1x8x32xf32, #tpu.memory_space<hbm>>) dst(%dma_wait3A_854 : memref<1x8x32xf32, #tpu.memory_space<vmem>>)
    %dma_wait3A_858 = arith.constant 24 : i32
    %dma_wait3A_859 = arith.constant 0 : i32
    %dma_wait3A_860 = arith.constant 0 : i32
    %dma_wait3A_861 = tpu.memref_slice %arg6[%dma_wait3A_858, %dma_wait3A_859, %dma_wait3A_860] : memref<32x8x32xf32, #tpu.memory_space<vmem>> -> memref<1x8x32xf32, #tpu.memory_space<vmem>>
    %dma_wait3A_862 = arith.constant 0 : i32
    %dma_wait3A_863 = arith.constant 0 : i32
    %dma_wait3A_864 = tpu.memref_slice %arg2[%squeeze3A_396, %dma_wait3A_862, %dma_wait3A_863] : memref<12500x8x32xf32, #tpu.memory_space<hbm>> -> memref<1x8x32xf32, #tpu.memory_space<hbm>>
    %dma_wait3A_865 = arith.constant 24 : i32
    %dma_wait3A_866 = arith.constant 0 : i32
    %dma_wait3A_867 = arith.constant 0 : i32
    %dma_wait3A_868 = tpu.memref_slice %arg6[%dma_wait3A_865, %dma_wait3A_866, %dma_wait3A_867] : memref<32x8x32xf32, #tpu.memory_space<vmem>> -> memref<1x8x32xf32, #tpu.memory_space<vmem>>
    %dma_wait3A_869 = arith.constant 0 : i32
    %dma_wait3A_870 = arith.constant 0 : i32
    %dma_wait3A_871 = tpu.memref_slice %arg2[%squeeze3A_396, %dma_wait3A_869, %dma_wait3A_870] : memref<12500x8x32xf32, #tpu.memory_space<hbm>> -> memref<1x8x32xf32, #tpu.memory_space<hbm>>
    tpu.wait_dma2 semaphore(%arg7 : memref<!tpu.dma_semaphore, #tpu.memory_space<semaphore_mem>>) src(%dma_wait3A_871 : memref<1x8x32xf32, #tpu.memory_space<hbm>>) dst(%dma_wait3A_868 : memref<1x8x32xf32, #tpu.memory_space<vmem>>)
    %dma_wait3A_872 = arith.constant 25 : i32
    %dma_wait3A_873 = arith.constant 0 : i32
    %dma_wait3A_874 = arith.constant 0 : i32
    %dma_wait3A_875 = tpu.memref_slice %arg6[%dma_wait3A_872, %dma_wait3A_873, %dma_wait3A_874] : memref<32x8x32xf32, #tpu.memory_space<vmem>> -> memref<1x8x32xf32, #tpu.memory_space<vmem>>
    %dma_wait3A_876 = arith.constant 0 : i32
    %dma_wait3A_877 = arith.constant 0 : i32
    %dma_wait3A_878 = tpu.memref_slice %arg2[%squeeze3A_412, %dma_wait3A_876, %dma_wait3A_877] : memref<12500x8x32xf32, #tpu.memory_space<hbm>> -> memref<1x8x32xf32, #tpu.memory_space<hbm>>
    %dma_wait3A_879 = arith.constant 25 : i32
    %dma_wait3A_880 = arith.constant 0 : i32
    %dma_wait3A_881 = arith.constant 0 : i32
    %dma_wait3A_882 = tpu.memref_slice %arg6[%dma_wait3A_879, %dma_wait3A_880, %dma_wait3A_881] : memref<32x8x32xf32, #tpu.memory_space<vmem>> -> memref<1x8x32xf32, #tpu.memory_space<vmem>>
    %dma_wait3A_883 = arith.constant 0 : i32
    %dma_wait3A_884 = arith.constant 0 : i32
    %dma_wait3A_885 = tpu.memref_slice %arg2[%squeeze3A_412, %dma_wait3A_883, %dma_wait3A_884] : memref<12500x8x32xf32, #tpu.memory_space<hbm>> -> memref<1x8x32xf32, #tpu.memory_space<hbm>>
    tpu.wait_dma2 semaphore(%arg7 : memref<!tpu.dma_semaphore, #tpu.memory_space<semaphore_mem>>) src(%dma_wait3A_885 : memref<1x8x32xf32, #tpu.memory_space<hbm>>) dst(%dma_wait3A_882 : memref<1x8x32xf32, #tpu.memory_space<vmem>>)
    %dma_wait3A_886 = arith.constant 26 : i32
    %dma_wait3A_887 = arith.constant 0 : i32
    %dma_wait3A_888 = arith.constant 0 : i32
    %dma_wait3A_889 = tpu.memref_slice %arg6[%dma_wait3A_886, %dma_wait3A_887, %dma_wait3A_888] : memref<32x8x32xf32, #tpu.memory_space<vmem>> -> memref<1x8x32xf32, #tpu.memory_space<vmem>>
    %dma_wait3A_890 = arith.constant 0 : i32
    %dma_wait3A_891 = arith.constant 0 : i32
    %dma_wait3A_892 = tpu.memref_slice %arg2[%squeeze3A_428, %dma_wait3A_890, %dma_wait3A_891] : memref<12500x8x32xf32, #tpu.memory_space<hbm>> -> memref<1x8x32xf32, #tpu.memory_space<hbm>>
    %dma_wait3A_893 = arith.constant 26 : i32
    %dma_wait3A_894 = arith.constant 0 : i32
    %dma_wait3A_895 = arith.constant 0 : i32
    %dma_wait3A_896 = tpu.memref_slice %arg6[%dma_wait3A_893, %dma_wait3A_894, %dma_wait3A_895] : memref<32x8x32xf32, #tpu.memory_space<vmem>> -> memref<1x8x32xf32, #tpu.memory_space<vmem>>
    %dma_wait3A_897 = arith.constant 0 : i32
    %dma_wait3A_898 = arith.constant 0 : i32
    %dma_wait3A_899 = tpu.memref_slice %arg2[%squeeze3A_428, %dma_wait3A_897, %dma_wait3A_898] : memref<12500x8x32xf32, #tpu.memory_space<hbm>> -> memref<1x8x32xf32, #tpu.memory_space<hbm>>
    tpu.wait_dma2 semaphore(%arg7 : memref<!tpu.dma_semaphore, #tpu.memory_space<semaphore_mem>>) src(%dma_wait3A_899 : memref<1x8x32xf32, #tpu.memory_space<hbm>>) dst(%dma_wait3A_896 : memref<1x8x32xf32, #tpu.memory_space<vmem>>)
    %dma_wait3A_900 = arith.constant 27 : i32
    %dma_wait3A_901 = arith.constant 0 : i32
    %dma_wait3A_902 = arith.constant 0 : i32
    %dma_wait3A_903 = tpu.memref_slice %arg6[%dma_wait3A_900, %dma_wait3A_901, %dma_wait3A_902] : memref<32x8x32xf32, #tpu.memory_space<vmem>> -> memref<1x8x32xf32, #tpu.memory_space<vmem>>
    %dma_wait3A_904 = arith.constant 0 : i32
    %dma_wait3A_905 = arith.constant 0 : i32
    %dma_wait3A_906 = tpu.memref_slice %arg2[%squeeze3A_444, %dma_wait3A_904, %dma_wait3A_905] : memref<12500x8x32xf32, #tpu.memory_space<hbm>> -> memref<1x8x32xf32, #tpu.memory_space<hbm>>
    %dma_wait3A_907 = arith.constant 27 : i32
    %dma_wait3A_908 = arith.constant 0 : i32
    %dma_wait3A_909 = arith.constant 0 : i32
    %dma_wait3A_910 = tpu.memref_slice %arg6[%dma_wait3A_907, %dma_wait3A_908, %dma_wait3A_909] : memref<32x8x32xf32, #tpu.memory_space<vmem>> -> memref<1x8x32xf32, #tpu.memory_space<vmem>>
    %dma_wait3A_911 = arith.constant 0 : i32
    %dma_wait3A_912 = arith.constant 0 : i32
    %dma_wait3A_913 = tpu.memref_slice %arg2[%squeeze3A_444, %dma_wait3A_911, %dma_wait3A_912] : memref<12500x8x32xf32, #tpu.memory_space<hbm>> -> memref<1x8x32xf32, #tpu.memory_space<hbm>>
    tpu.wait_dma2 semaphore(%arg7 : memref<!tpu.dma_semaphore, #tpu.memory_space<semaphore_mem>>) src(%dma_wait3A_913 : memref<1x8x32xf32, #tpu.memory_space<hbm>>) dst(%dma_wait3A_910 : memref<1x8x32xf32, #tpu.memory_space<vmem>>)
    %dma_wait3A_914 = arith.constant 28 : i32
    %dma_wait3A_915 = arith.constant 0 : i32
    %dma_wait3A_916 = arith.constant 0 : i32
    %dma_wait3A_917 = tpu.memref_slice %arg6[%dma_wait3A_914, %dma_wait3A_915, %dma_wait3A_916] : memref<32x8x32xf32, #tpu.memory_space<vmem>> -> memref<1x8x32xf32, #tpu.memory_space<vmem>>
    %dma_wait3A_918 = arith.constant 0 : i32
    %dma_wait3A_919 = arith.constant 0 : i32
    %dma_wait3A_920 = tpu.memref_slice %arg2[%squeeze3A_460, %dma_wait3A_918, %dma_wait3A_919] : memref<12500x8x32xf32, #tpu.memory_space<hbm>> -> memref<1x8x32xf32, #tpu.memory_space<hbm>>
    %dma_wait3A_921 = arith.constant 28 : i32
    %dma_wait3A_922 = arith.constant 0 : i32
    %dma_wait3A_923 = arith.constant 0 : i32
    %dma_wait3A_924 = tpu.memref_slice %arg6[%dma_wait3A_921, %dma_wait3A_922, %dma_wait3A_923] : memref<32x8x32xf32, #tpu.memory_space<vmem>> -> memref<1x8x32xf32, #tpu.memory_space<vmem>>
    %dma_wait3A_925 = arith.constant 0 : i32
    %dma_wait3A_926 = arith.constant 0 : i32
    %dma_wait3A_927 = tpu.memref_slice %arg2[%squeeze3A_460, %dma_wait3A_925, %dma_wait3A_926] : memref<12500x8x32xf32, #tpu.memory_space<hbm>> -> memref<1x8x32xf32, #tpu.memory_space<hbm>>
    tpu.wait_dma2 semaphore(%arg7 : memref<!tpu.dma_semaphore, #tpu.memory_space<semaphore_mem>>) src(%dma_wait3A_927 : memref<1x8x32xf32, #tpu.memory_space<hbm>>) dst(%dma_wait3A_924 : memref<1x8x32xf32, #tpu.memory_space<vmem>>)
    %dma_wait3A_928 = arith.constant 29 : i32
    %dma_wait3A_929 = arith.constant 0 : i32
    %dma_wait3A_930 = arith.constant 0 : i32
    %dma_wait3A_931 = tpu.memref_slice %arg6[%dma_wait3A_928, %dma_wait3A_929, %dma_wait3A_930] : memref<32x8x32xf32, #tpu.memory_space<vmem>> -> memref<1x8x32xf32, #tpu.memory_space<vmem>>
    %dma_wait3A_932 = arith.constant 0 : i32
    %dma_wait3A_933 = arith.constant 0 : i32
    %dma_wait3A_934 = tpu.memref_slice %arg2[%squeeze3A_476, %dma_wait3A_932, %dma_wait3A_933] : memref<12500x8x32xf32, #tpu.memory_space<hbm>> -> memref<1x8x32xf32, #tpu.memory_space<hbm>>
    %dma_wait3A_935 = arith.constant 29 : i32
    %dma_wait3A_936 = arith.constant 0 : i32
    %dma_wait3A_937 = arith.constant 0 : i32
    %dma_wait3A_938 = tpu.memref_slice %arg6[%dma_wait3A_935, %dma_wait3A_936, %dma_wait3A_937] : memref<32x8x32xf32, #tpu.memory_space<vmem>> -> memref<1x8x32xf32, #tpu.memory_space<vmem>>
    %dma_wait3A_939 = arith.constant 0 : i32
    %dma_wait3A_940 = arith.constant 0 : i32
    %dma_wait3A_941 = tpu.memref_slice %arg2[%squeeze3A_476, %dma_wait3A_939, %dma_wait3A_940] : memref<12500x8x32xf32, #tpu.memory_space<hbm>> -> memref<1x8x32xf32, #tpu.memory_space<hbm>>
    tpu.wait_dma2 semaphore(%arg7 : memref<!tpu.dma_semaphore, #tpu.memory_space<semaphore_mem>>) src(%dma_wait3A_941 : memref<1x8x32xf32, #tpu.memory_space<hbm>>) dst(%dma_wait3A_938 : memref<1x8x32xf32, #tpu.memory_space<vmem>>)
    %dma_wait3A_942 = arith.constant 30 : i32
    %dma_wait3A_943 = arith.constant 0 : i32
    %dma_wait3A_944 = arith.constant 0 : i32
    %dma_wait3A_945 = tpu.memref_slice %arg6[%dma_wait3A_942, %dma_wait3A_943, %dma_wait3A_944] : memref<32x8x32xf32, #tpu.memory_space<vmem>> -> memref<1x8x32xf32, #tpu.memory_space<vmem>>
    %dma_wait3A_946 = arith.constant 0 : i32
    %dma_wait3A_947 = arith.constant 0 : i32
    %dma_wait3A_948 = tpu.memref_slice %arg2[%squeeze3A_492, %dma_wait3A_946, %dma_wait3A_947] : memref<12500x8x32xf32, #tpu.memory_space<hbm>> -> memref<1x8x32xf32, #tpu.memory_space<hbm>>
    %dma_wait3A_949 = arith.constant 30 : i32
    %dma_wait3A_950 = arith.constant 0 : i32
    %dma_wait3A_951 = arith.constant 0 : i32
    %dma_wait3A_952 = tpu.memref_slice %arg6[%dma_wait3A_949, %dma_wait3A_950, %dma_wait3A_951] : memref<32x8x32xf32, #tpu.memory_space<vmem>> -> memref<1x8x32xf32, #tpu.memory_space<vmem>>
    %dma_wait3A_953 = arith.constant 0 : i32
    %dma_wait3A_954 = arith.constant 0 : i32
    %dma_wait3A_955 = tpu.memref_slice %arg2[%squeeze3A_492, %dma_wait3A_953, %dma_wait3A_954] : memref<12500x8x32xf32, #tpu.memory_space<hbm>> -> memref<1x8x32xf32, #tpu.memory_space<hbm>>
    tpu.wait_dma2 semaphore(%arg7 : memref<!tpu.dma_semaphore, #tpu.memory_space<semaphore_mem>>) src(%dma_wait3A_955 : memref<1x8x32xf32, #tpu.memory_space<hbm>>) dst(%dma_wait3A_952 : memref<1x8x32xf32, #tpu.memory_space<vmem>>)
    %dma_wait3A_956 = arith.constant 31 : i32
    %dma_wait3A_957 = arith.constant 0 : i32
    %dma_wait3A_958 = arith.constant 0 : i32
    %dma_wait3A_959 = tpu.memref_slice %arg6[%dma_wait3A_956, %dma_wait3A_957, %dma_wait3A_958] : memref<32x8x32xf32, #tpu.memory_space<vmem>> -> memref<1x8x32xf32, #tpu.memory_space<vmem>>
    %dma_wait3A_960 = arith.constant 0 : i32
    %dma_wait3A_961 = arith.constant 0 : i32
    %dma_wait3A_962 = tpu.memref_slice %arg2[%squeeze3A_508, %dma_wait3A_960, %dma_wait3A_961] : memref<12500x8x32xf32, #tpu.memory_space<hbm>> -> memref<1x8x32xf32, #tpu.memory_space<hbm>>
    %dma_wait3A_963 = arith.constant 31 : i32
    %dma_wait3A_964 = arith.constant 0 : i32
    %dma_wait3A_965 = arith.constant 0 : i32
    %dma_wait3A_966 = tpu.memref_slice %arg6[%dma_wait3A_963, %dma_wait3A_964, %dma_wait3A_965] : memref<32x8x32xf32, #tpu.memory_space<vmem>> -> memref<1x8x32xf32, #tpu.memory_space<vmem>>
    %dma_wait3A_967 = arith.constant 0 : i32
    %dma_wait3A_968 = arith.constant 0 : i32
    %dma_wait3A_969 = tpu.memref_slice %arg2[%squeeze3A_508, %dma_wait3A_967, %dma_wait3A_968] : memref<12500x8x32xf32, #tpu.memory_space<hbm>> -> memref<1x8x32xf32, #tpu.memory_space<hbm>>
    tpu.wait_dma2 semaphore(%arg7 : memref<!tpu.dma_semaphore, #tpu.memory_space<semaphore_mem>>) src(%dma_wait3A_969 : memref<1x8x32xf32, #tpu.memory_space<hbm>>) dst(%dma_wait3A_966 : memref<1x8x32xf32, #tpu.memory_space<vmem>>)
    "tpu.region"() ({
      %run_scoped3A = tpu.sem_alloc : memref<!tpu.dma_semaphore, #tpu.memory_space<semaphore_mem>>
      %dma_start3A_970 = arith.constant 0 : i32
      %dma_start3A_971 = arith.constant 0 : i32
      %dma_start3A_972 = tpu.memref_slice %arg4[%mul3A_2, %dma_start3A_970, %dma_start3A_971] : memref<1024x8x32xf32, #tpu.memory_space<hbm>> -> memref<32x8x32xf32, #tpu.memory_space<hbm>>
      %dma_start3A_973 = arith.constant 0 : i32
      %dma_start3A_974 = arith.constant 0 : i32
      %dma_start3A_975 = tpu.memref_slice %arg4[%mul3A_2, %dma_start3A_973, %dma_start3A_974] : memref<1024x8x32xf32, #tpu.memory_space<hbm>> -> memref<32x8x32xf32, #tpu.memory_space<hbm>>
      tpu.enqueue_dma source(%arg6 : memref<32x8x32xf32, #tpu.memory_space<vmem>>) target(%dma_start3A_975 : memref<32x8x32xf32, #tpu.memory_space<hbm>>) target_semaphore(%run_scoped3A : memref<!tpu.dma_semaphore, #tpu.memory_space<semaphore_mem>>)
      %dma_wait3A_976 = arith.constant 0 : i32
      %dma_wait3A_977 = arith.constant 0 : i32
      %dma_wait3A_978 = tpu.memref_slice %arg4[%mul3A_2, %dma_wait3A_976, %dma_wait3A_977] : memref<1024x8x32xf32, #tpu.memory_space<hbm>> -> memref<32x8x32xf32, #tpu.memory_space<hbm>>
      %dma_wait3A_979 = arith.constant 0 : i32
      %dma_wait3A_980 = arith.constant 0 : i32
      %dma_wait3A_981 = tpu.memref_slice %arg4[%mul3A_2, %dma_wait3A_979, %dma_wait3A_980] : memref<1024x8x32xf32, #tpu.memory_space<hbm>> -> memref<32x8x32xf32, #tpu.memory_space<hbm>>
      tpu.wait_dma2 semaphore(%run_scoped3A : memref<!tpu.dma_semaphore, #tpu.memory_space<semaphore_mem>>) src(%arg6 : memref<32x8x32xf32, #tpu.memory_space<vmem>>) dst(%dma_wait3A_981 : memref<32x8x32xf32, #tpu.memory_space<hbm>>)
      tpu.yield
    }) : () -> ()
    return
  }
}

module attributes {stable_mosaic.version = 14 : i64} {
  func.func @_proj_body(%arg0: i32, %arg1: memref<1024xi32, #tpu.memory_space<vmem>>, %arg2: memref<1024x8x32xf32, #tpu.memory_space<vmem>>, %arg3: memref<32x2048xf32, #tpu.memory_space<vmem>>, %arg4: memref<2048xf32, #tpu.memory_space<vmem>>, %arg5: memref<2048x1024xf32, #tpu.memory_space<vmem>>, %arg6: memref<32x1024xf32, #tpu.memory_space<vmem>>) attributes {dimension_semantics = [#tpu.dimension_semantics<arbitrary>], iteration_bounds = array<i64: 49>, scalar_prefetch = 0 : i64, scratch_operands = 1 : i64, tpu.core_type = #tpu.core_type<tc>, window_params = [{pipeline_mode = #tpu.pipeline_mode<synchronous>, transform_indices = @transform_0, window_bounds = array<i64: 1024>}, {pipeline_mode = #tpu.pipeline_mode<synchronous>, transform_indices = @transform_1, window_bounds = array<i64: 1024, 8, 32>}, {transform_indices = @transform_2, window_bounds = array<i64: 32, 2048>}, {transform_indices = @transform_3, window_bounds = array<i64: 2048>}, {transform_indices = @transform_4, window_bounds = array<i64: 2048, 1024>}]} {
    %eq3A = arith.constant 0 : i32
    %eq3A_0 = arith.cmpi eq, %arg0, %eq3A : i32
    %convert_element_type3A = arith.extui %eq3A_0 : i1 to i32
    %cond3A = arith.constant 0 : i32
    %cond3A_1 = arith.cmpi ne, %convert_element_type3A, %cond3A : i32
    scf.if %cond3A_1 {
      %get3A_13 = arith.constant 0 : index
      %get3A_14 = vector.load %arg1[%get3A_13] : memref<1024xi32, #tpu.memory_space<vmem>>, vector<1024xi32>
      %rem3A = arith.constant 8 : i32
      %rem3A_15 = vector.broadcast %rem3A : i32 to vector<1024xi32>
      %rem3A_16 = arith.remsi %get3A_14, %rem3A_15 : vector<1024xi32>
      %broadcast_in_dim3A = vector.shape_cast %rem3A_16 : vector<1024xi32> to vector<1024x1x1xi32>
      %iota3A = tpu.iota {dimensions = array<i32: 1>} : vector<1x8x1xi32>
      %eq3A_17 = vector.broadcast %broadcast_in_dim3A : vector<1024x1x1xi32> to vector<1024x8x1xi32>
      %eq3A_18 = vector.broadcast %iota3A : vector<1x8x1xi32> to vector<1024x8x1xi32>
      %eq3A_19 = arith.cmpi eq, %eq3A_17, %eq3A_18 : vector<1024x8x1xi32>
      %convert_element_type3A_20 = arith.extui %eq3A_19 : vector<1024x8x1xi1> to vector<1024x8x1xi32>
      %convert_element_type3A_21 = arith.sitofp %convert_element_type3A_20 : vector<1024x8x1xi32> to vector<1024x8x1xf32>
      %get3A_22 = arith.constant 0 : index
      %get3A_23 = arith.constant 0 : index
      %get3A_24 = arith.constant 0 : index
      %get3A_25 = vector.load %arg2[%get3A_22, %get3A_23, %get3A_24] : memref<1024x8x32xf32, #tpu.memory_space<vmem>>, vector<1024x8x32xf32>
      %mul3A = vector.broadcast %convert_element_type3A_21 : vector<1024x8x1xf32> to vector<1024x8x32xf32>
      %mul3A_26 = arith.mulf %get3A_25, %mul3A : vector<1024x8x32xf32>
      %reduce_sum3A = arith.constant dense<0.000000e+00> : vector<1024x32xf32>
      %reduce_sum3A_27 = vector.multi_reduction <add>, %mul3A_26, %reduce_sum3A [1] : vector<1024x8x32xf32> to vector<1024x32xf32>
      %transpose3A_28 = tpu.transpose %reduce_sum3A_27, [1, 0] : vector<1024x32xf32> -> vector<32x1024xf32>
      %swap3A_29 = arith.constant 0 : index
      %swap3A_30 = arith.constant 0 : index
      %swap3A_31 = vector.load %arg6[%swap3A_29, %swap3A_30] : memref<32x1024xf32, #tpu.memory_space<vmem>>, vector<32x1024xf32>
      tpu.vector_store %arg6[%swap3A_29, %swap3A_30], %transpose3A_28 {strides = array<i32>} : memref<32x1024xf32, #tpu.memory_space<vmem>>, vector<32x1024xf32>,
    } else {
    }
    %get3A = arith.constant 0 : index
    %get3A_2 = arith.constant 0 : index
    %get3A_3 = vector.load %arg3[%get3A, %get3A_2] : memref<32x2048xf32, #tpu.memory_space<vmem>>, vector<32x2048xf32>
    %get3A_4 = arith.constant 0 : index
    %get3A_5 = arith.constant 0 : index
    %get3A_6 = vector.load %arg6[%get3A_4, %get3A_5] : memref<32x1024xf32, #tpu.memory_space<vmem>>, vector<32x1024xf32>
    %dot_general3A = arith.constant dense<0.000000e+00> : vector<2048x1024xf32>
    %dot_general3A_7 = tpu.matmul %get3A_3, %get3A_6, %dot_general3A {dimension_numbers = #tpu.dot_dimension_numbers<[0], [0], [1], [1], [0, 1, 1, 1], [], []>, transpose_lhs_hint = false} : vector<32x2048xf32>, vector<32x1024xf32>, vector<2048x1024xf32> -> vector<2048x1024xf32>
    %get3A_8 = arith.constant 0 : index
    %get3A_9 = vector.load %arg4[%get3A_8] : memref<2048xf32, #tpu.memory_space<vmem>>, vector<2048xf32>
    %reshape3A = vector.shape_cast %get3A_9 : vector<2048xf32> to vector<1x2048xf32>
    %transpose3A = tpu.transpose %reshape3A, [1, 0] : vector<1x2048xf32> -> vector<2048x1xf32>
    %add3A = vector.broadcast %transpose3A : vector<2048x1xf32> to vector<2048x1024xf32>
    %add3A_10 = arith.addf %dot_general3A_7, %add3A : vector<2048x1024xf32>
    %swap3A = arith.constant 0 : index
    %swap3A_11 = arith.constant 0 : index
    %swap3A_12 = vector.load %arg5[%swap3A, %swap3A_11] : memref<2048x1024xf32, #tpu.memory_space<vmem>>, vector<2048x1024xf32>
    tpu.vector_store %arg5[%swap3A, %swap3A_11], %add3A_10 {strides = array<i32>} : memref<2048x1024xf32, #tpu.memory_space<vmem>>, vector<2048x1024xf32>,
    return
  }
  func.func @transform_0(%arg0: i32) -> i32 {
    %c0_i32 = arith.constant 0 : i32
    %c0_i32_0 = arith.constant 0 : i32
    return %c0_i32 : i32
  }
  func.func @transform_1(%arg0: i32) -> (i32, i32, i32) {
    %c0_i32 = arith.constant 0 : i32
    %c0_i32_0 = arith.constant 0 : i32
    %c0_i32_1 = arith.constant 0 : i32
    %c0_i32_2 = arith.constant 0 : i32
    return %c0_i32, %c0_i32_0, %c0_i32_1 : i32, i32, i32
  }
  func.func @transform_2(%arg0: i32) -> (i32, i32) {
    %c0_i32 = arith.constant 0 : i32
    %c0_i32_0 = arith.constant 0 : i32
    return %c0_i32, %arg0 : i32, i32
  }
  func.func @transform_3(%arg0: i32) -> i32 {
    %c0_i32 = arith.constant 0 : i32
    return %arg0 : i32
  }
  func.func @transform_4(%arg0: i32) -> (i32, i32) {
    %c0_i32 = arith.constant 0 : i32
    %c0_i32_0 = arith.constant 0 : i32
    return %arg0, %c0_i32 : i32, i32
  }
}

</mosaic_0001>

<sc_bundles>
// kernel: kernel.4.cloned.1.call-start
scs
__scs_entry_jumppad:
0x0: {  	(pc) =	sbr.rel $0x88, $3  }
0x1: {  	(tag) =	ssettag $0x0;
	lr =	simm.s32 $0x1  }
0x2: {  	[smem:$0x3F9D] =	sst lr;
	_ =	strace $0xD0000000  }
0x3: {  	_ = 	snop  }
0x4: {  	_ = 	snop  }
0x5: {  	_ = 	snop  }
0x6: {  	_ = 	snop  }
0x7: {  	_ = 	snop  }
__scs_overlays_trampoline_lowered:
0x8: {  	[smem:$0x3FAC] =	sst s0  }
0x9: {  	[smem:$0x3FAD] =	sst s1  }
0xa: {  	[smem:$0x3FAE] =	sst s2  }
0xb: {  	[smem:$0x3FAF] =	sst s3  }
0xc: {  	[smem:$0x3FB0] =	sst s4  }
0xd: {  	[smem:$0x3FB1] =	sst s5  }
0xe: {  	[smem:$0x3FB2] =	sst s6  }
0xf: {  	[smem:$0x3FB3] =	sst s7  }
0x10: {  	[smem:$0x3FB4] =	sst s8  }
0x11: {  	[smem:$0x3FB5] =	sst s9;
	s0 =	simm.s32 @!p0 $0x0  }
0x12: {  	s1 =	sld [smem:$0x3F9B];
	s0 =	simm.s32 @p0 $0x1  }
0x13: {  	[smem:$0x3FB6] =	sst s0;
	s0 =	simm.s32 @!p1 $0x0  }
0x14: {  	s2 =	sld [smem:$0x3F9A];
	s0 =	simm.s32 @p1 $0x1  }
0x15: {  	[smem:$0x3FB7] =	sst s0;
	s0 =	simm.s32 @!p2 $0x0  }
0x16: {  	s3 =	sld [smem:$0x3FDB];
	s0 =	simm.s32 @p2 $0x1  }
0x17: {  	s4 =	simm.s32 $0x1BF5;
	[smem:$0x3FB9] =	sst s0  }
0x18: {  	s0 =	sld [smem:$0x3F9C];
	_ =	swait.ge [sflag:s4], $0x0  }
0x19: {  	s7 =	sld [smem:$0x3F9D]  }
0x1a: {  	s8 =	sadd.s32 $0xFFFFE003, lr  }
0x1b: {  	s9 =	sadd.s32 $0xFFFFFEF7, lr;
	s5 =	simm.s32 $0xFFFFFFFF;
	p2 =	slt.u32 s8, $0xFFFFF086  }
0x1c: {  	p1 =	slt.u32 s9, $0xF7A;
	s5 =	simm.s32 @!p2 $0x0  }
0x1d: {  	s5 =	simm.s32 @p1 $0x1;
	p0 =	seq.s32 s7, s2  }
0x1e: {  	s7 =	smul.u32 @!p0 $0xF7A, s2;
	p2 =	seq.s32 @!p0 s5, $0x0  }
0x1f: {  	s9 =	smul.u32 $0xF7A, s1;
	s8 =	simm.s32 @!p0 $0x1BF5;
	p2 =	por !p2, p0  }
0x20: {  	[sflag:s8] =	ssyncset.s32 @!p0 $0xFFFFF086;
	s6 =	sadd.s32 @!p0 s3, s7;
	s7 =	simm.s32 @!p0 $0x108  }
0x21: {  	s3 =	sadd.s32 s3, s9;
	s6 =	sadd.s32 @!p0 $0x88, s6;
	s7 =	simm.s32 @p2 $0x1082  }
0x22: {  	[simem:s7], [sflag:s8] =	dma.local @!p0 [hbm:s6], $0xF7A  }
0x23: {  	s9 =	sor.u32 $0xD0000000, s2;
	s6 =	simm.s32 $0x108;
	_ =	swait.ge @!p0 [sflag:s8], $0x0  }
0x24: {  	s3 =	sadd.s32 $0x88, s3;
	s6 =	simm.s32 @!p1 $0x1082;
	[sflag:s4] =	ssyncset.s32 $0xFFFFF086  }
0x25: {  	[simem:s6], [sflag:s4] =	dma.local [hbm:s3], $0xF7A  }
0x26: {  	[smem:$0x3F9D] =	sst s1;
	(tag) =	ssettag s2;
	_ =	strace s9  }
0x27: {  	s1 =	sld [smem:$0x3FAD]  }
0x28: {  	s2 =	sld [smem:$0x3FAE]  }
0x29: {  	s4 =	sld [smem:$0x3FB0]  }
0x2a: {  	p0 =	seq.s32 s5, $0x0;
	s5 =	sld [smem:$0x3FB1]  }
0x2b: {  	s6 =	sld [smem:$0x3FB2]  }
0x2c: {  	s7 =	sld [smem:$0x3FB3]  }
0x2d: {  	s3 =	simm.s32 $0x108;
	s8 =	sld [smem:$0x3FB4]  }
0x2e: {  	s3 =	simm.s32 @!p0 $0x1082;
	s9 =	sld [smem:$0x3FB5]  }
0x2f: {  	lr =	sadd.s32 s0, s3;
	s0 =	sld [smem:$0x3FAC]  }
0x30: {  	s3 =	sld [smem:$0x3FAF]  }
0x31: {  	[smem:$0x3FB8] =	sst s10  }
0x32: {  	s10 =	sld [smem:$0x3FB6];
	_ =	sdelay $0x3  }
0x33: {  	p0 =	seq.s32 s10, $0x1;
	s10 =	sld [smem:$0x3FB8];
	_ =	sdelay $0x3  }
0x34: {  	[smem:$0x3FB8] =	sst s10  }
0x35: {  	s10 =	sld [smem:$0x3FB7];
	_ =	sdelay $0x3  }
0x36: {  	p1 =	seq.s32 s10, $0x1;
	s10 =	sld [smem:$0x3FB8];
	_ =	sdelay $0x3  }
0x37: {  	[smem:$0x3FB8] =	sst s10  }
0x38: {  	s10 =	sld [smem:$0x3FB9]  }
0x39: {  	_ = 	snop;
	(pc) =	sbr.ind lr, $3  }
0x3a: {  	_ = 	snop  }
0x3b: {  	_ = 	snop  }
0x3c: {  	p2 =	seq.s32 s10, $0x1;
	s10 =	sld [smem:$0x3FB8]  }
0x3d: {  	_ =	shalt  }
0x3e: {  	_ =	shalt  }
0x3f: {  	_ =	shalt  }
0x40: {  	_ =	shalt  }
0x41: {  	_ =	shalt  }
0x42: {  	_ =	shalt  }
0x43: {  	_ =	shalt  }
0x44: {  	_ =	shalt  }
0x45: {  	_ =	shalt  }
0x46: {  	_ =	shalt  }
0x47: {  	_ =	shalt  }
0x48: {  	_ =	shalt  }
0x49: {  	_ =	shalt  }
0x4a: {  	_ =	shalt  }
0x4b: {  	_ =	shalt  }
0x4c: {  	_ =	shalt  }
0x4d: {  	_ =	shalt  }
0x4e: {  	_ =	shalt  }
0x4f: {  	_ =	shalt  }
0x50: {  	_ =	shalt  }
0x51: {  	_ =	shalt  }
0x52: {  	_ =	shalt  }
0x53: {  	_ =	shalt  }
0x54: {  	_ =	shalt  }
0x55: {  	_ =	shalt  }
0x56: {  	_ =	shalt  }
0x57: {  	_ =	shalt  }
0x58: {  	_ =	shalt  }
0x59: {  	_ =	shalt  }
0x5a: {  	_ =	shalt  }
0x5b: {  	_ =	shalt  }
0x5c: {  	_ =	shalt  }
0x5d: {  	_ =	shalt  }
0x5e: {  	_ =	shalt  }
0x5f: {  	_ =	shalt  }
0x60: {  	_ =	shalt  }
0x61: {  	_ =	shalt  }
0x62: {  	_ =	shalt  }
0x63: {  	_ =	shalt  }
0x64: {  	_ =	shalt  }
0x65: {  	_ =	shalt  }
0x66: {  	_ =	shalt  }
0x67: {  	_ =	shalt  }
0x68: {  	_ =	shalt  }
0x69: {  	_ =	shalt  }
0x6a: {  	_ =	shalt  }
0x6b: {  	_ =	shalt  }
0x6c: {  	_ =	shalt  }
0x6d: {  	_ =	shalt  }
0x6e: {  	_ =	shalt  }
0x6f: {  	_ =	shalt  }
0x70: {  	_ =	shalt  }
0x71: {  	_ =	shalt  }
0x72: {  	_ =	shalt  }
0x73: {  	_ =	shalt  }
0x74: {  	_ =	shalt  }
0x75: {  	_ =	shalt  }
0x76: {  	_ =	shalt  }
0x77: {  	_ =	shalt  }
0x78: {  	_ =	shalt  }
0x79: {  	_ =	shalt  }
0x7a: {  	_ =	shalt  }
0x7b: {  	_ =	shalt  }
0x7c: {  	_ =	shalt  }
0x7d: {  	_ =	shalt  }
0x7e: {  	_ =	shalt  }
0x7f: {  	_ =	shalt  }
0x80: {  	_ =	shalt  }
0x81: {  	_ =	shalt  }
0x82: {  	_ =	shalt  }
0x83: {  	_ =	shalt  }
0x84: {  	_ =	shalt  }
0x85: {  	_ =	shalt  }
0x86: {  	_ =	shalt  }
0x87: {  	_ =	shalt  }
.Lfunc_end0:
.L_simem_size_0:
called_computation_lowered:
.L_overlay_start_0:
0x88: {  	s2 =	sld [smem:$0x3FD9]  }
0x89: {  	s3 =	sld [smem:$0x3FFE];
	_ =	sdelay $0x1  }
0x8a: {  	s1 =	srdreg.scid  }
0x8b: {  	s0 =	sand.u32 $0x1, s1  }
0x8c: {  	s17 =	sshll.u32 s0, $0xA;
	s2 =	sadd.s32 s3, s2  }
0x8d: {  	s2 =	sadd.s32 s2, s17  }
0x8e: {  	[smem:$0x3FC4] =	sst s2  }
0x8f: {  	_ = 	snop  }
0x90: {  	s2 =	sld [smem:$0x3FD0];
	(tm) =	ssettm $0x1  }
0x91: {  	s18 =	sld [smem:$0x3FFB];
	_ =	sdelay $0x3  }
0x92: {  	_ =	strace s18  }
0x93: {  	s3 =	sld [smem:$0x3FFC];
	_ =	sdelay $0x3  }
0x94: {  	_ =	strace s3  }
0x95: {  	s3 =	sld [smem:$0x3FFD];
	_ =	sdelay $0x3  }
0x96: {  	_ =	strace s3  }
0x97: {  	_ =	strace $0x8FFFFFFF  }
0x98: {  	s19 =	sld [smem:$0x3FDB];
	_ =	sdelay $0x1  }
0x99: {  	s4 =	simm.s32 $_scs_section_size  }
0x9a: {  	s5 =	simm.s32 $_size__tile_overlayer_lowered;
	s6 =	simm.s32 $_tile_overlayer_lowered  }
0x9b: {  	s22 =	simm.s32 $0x1BFF;
	s21 =	sshll.u32 s6, $0x1;
	s3 =	sadd.s32 s4, s19  }
0x9c: {  	s7 =	simm.s32 $0x0;
	s20 =	sshll.u32 s5, $0x1;
	s5 =	sadd.s32 s21, s3  }
0x9d: {  	[timem:s7], [sflag:s22] =	dma.local [hbm:s5], s20  }
0x9e: {  	_ =	swait.ge [sflag:s22], s20  }
0x9f: {  	s4 =	ssub.s32 $0x0, s20;
	[sflag:s22] =	ssyncset.done $0x0  }
0xa0: {  	[sflag:s22] =	ssyncadd.s32 s4;
	_ =	sdelay $0x1  }
0xa1: {  	s23 =	simm.s32 $0x1B8B  }
0xa2: {  	_ =	swait.ge [sflag:s23], $0x1  }
0xa3: {  	[sflag:s23] =	ssyncset.done $0x0  }
0xa4: {  	s25 =	simm.s32 $0x1B8E;
	s24 =	sld [smem:$0x3FFE];
	[sflag:s23] =	ssyncadd.s32 $0xFFFFFFFF  }
0xa5: {  	s26 =	simm.s32 $execute0_lowered;
	[smem:$0x3FD2] =	sst s25  }
0xa6: {  	s5 =	sshll.u32 s26, $0x1;
	_ =	strace $0x80000046;
	[dreg:$0x1] =	wrdreg $0xFFFFFFFF  }
0xa7: {  	s28 =	simm.s32 $_size_execute0_lowered;
	s3 =	sadd.s32 s3, s5;
	[dreg:$0x0] =	wrdreg $0x0  }
0xa8: {  	s5 =	sshll.u32 s28, $0x1;
	[dreg:$0x2] =	wrdreg s3  }
0xa9: {  	[dreg:$0x3] =	wrdreg s5  }
0xaa: {  	[dreg:$0x4] =	wrdreg $0xC0  }
0xab: {  	_ =	task [dreg:s7], $0x5FFFF  }
0xac: {  	[dreg:$0x1] =	wrdreg $0xFFFFFFFF  }
0xad: {  	[dreg:$0x0] =	wrdreg $0x60  }
0xae: {  	[dreg:$0x2] =	wrdreg s2  }
0xaf: {  	[dreg:$0x3] =	wrdreg s24  }
0xb0: {  	[dreg:$0x4] =	wrdreg $0x9  }
0xb1: {  	_ =	task.clear_ibuf [dreg:s7], $0x5FFFF;
	_ =	strace $0x90000046  }
0xb2: {  	s29 =	simm.s32 $0x9;
	_ =	strace $0x80000048  }
0xb3: {  	_ =	swait.ge [sflag:s29], $0x1  }
0xb4: {  	[sflag:s29] =	ssyncadd.s32 $0xFFFFFFFF  }
0xb5: {  	_ =	strace $0x90000048  }
0xb6: {  	_ =	sfence  }
0xb7: {  	s30 =	sld [smem:$0x0];
	_ =	sdelay $0x2  }
0xb8: {  	s31 =	sshll.u32 s1, $0xD;
	s1 =	sshrl.u32 s1, $0x2  }
0xb9: {  	s3 =	sand.u32 $0x4000, s31;
	s1 =	sadd.s32 s1, s30  }
0xba: {  	s0 =	sor.u32 s3, s0;
	s1 =	sshll.u32 s1, $0x11  }
0xbb: {  	s0 =	sor.u32 s1, s0  }
0xbc: {  	s0 =	sadd.s32 $0x8F2B, s0  }
0xbd: {  	[sflag:s0] =	ssyncadd.remote.s32 $0x1  }
0xbe: {  	_ =	sfence.sel $0xFFFF  }
0xbf: {  	[dreg:$0x0] =	wrdreg $0xFFFFFFFF;
	(pc) =	sbr.abs _section_cstart, $3  }
0xc0: {  	[dreg:$0x1] =	wrdreg $0xFFFFFFFF  }
0xc1: {  	_ =	task.clear_ibuf [dreg:s7], $0x2FFFF;
	_ =	strace $0x9FFFFFFF  }
0xc2: {  	(tm) =	ssettm $0x7FFFFFFF  }
0xc3: {  	_ =	shalt  }
tec
execute0_lowered:
.L_overlay_start_1:
0x0: {  	(tag) =	ssettag $0x1  }
0x1: {  	s1 =	srdreg.scid  }
0x2: {  	s0 =	stileid.u32;
	s6 =	rddreg [dreg:$0x0];
	s3 =	sand.u32 $0x1, s1  }
0x3: {  	s4 =	rddreg [dreg:$0x1];
	s21 =	sshll.u32 s0, $0x6;
	s2 =	sshll.u32 s3, $0x5  }
0x4: {  	s1 =	rddreg [dreg:$0x2];
	s5 =	sor.u32 s2, s21;
	s2 =	simm.s32 $0x0  }
0x5: {  	s23 =	simm.s32 $0x480;
	[smem:$0x7FF] =	sst s2  }
0x6: {  	s24 =	simm.s32 $0x880;
	_ =	strace $0x80000047;
	[dreg:$0x5] =	wrdreg s23  }
0x7: {  	s25 =	simm.s32 $0xC80;
	[dreg:$0x6] =	wrdreg s24  }
0x8: {  	s26 =	simm.s32 $0x1080;
	[dreg:$0x7] =	wrdreg s25  }
0x9: {  	s28 =	simm.s32 $0x1480;
	[dreg:$0x8] =	wrdreg s26  }
0xa: {  	s29 =	simm.s32 $0x1880;
	[dreg:$0x9] =	wrdreg s28  }
0xb: {  	s30 =	simm.s32 $0x1C80;
	[dreg:$0xa] =	wrdreg s29  }
0xc: {  	s31 =	simm.s32 $0x2080;
	[dreg:$0xb] =	wrdreg s30  }
0xd: {  	s8 =	simm.s32 $0x2C80;
	[dreg:$0xc] =	wrdreg s31  }
0xe: {  	s9 =	simm.s32 $0x3080;
	[dreg:$0xf] =	wrdreg s8  }
0xf: {  	s10 =	simm.s32 $0x3480;
	[dreg:$0x10] =	wrdreg s9  }
0x10: {  	s11 =	simm.s32 $0x3880;
	[dreg:$0x11] =	wrdreg s10  }
0x11: {  	s12 =	simm.s32 $0x3C80;
	[dreg:$0x12] =	wrdreg s11  }
0x12: {  	s13 =	simm.s32 $0x4080;
	[dreg:$0x13] =	wrdreg s12  }
0x13: {  	s14 =	simm.s32 $0x4480;
	[dreg:$0x14] =	wrdreg s13  }
0x14: {  	s15 =	simm.s32 $0x4880;
	[dreg:$0x15] =	wrdreg s14  }
0x15: {  	s16 =	simm.s32 $0x4C80;
	[dreg:$0x16] =	wrdreg s15  }
0x16: {  	s17 =	simm.s32 $0x5080;
	[dreg:$0x17] =	wrdreg s16  }
0x17: {  	s18 =	simm.s32 $0x5480;
	[dreg:$0x18] =	wrdreg s17  }
0x18: {  	s19 =	simm.s32 $0x5880;
	s20 =	simm.s32 $0x5C80;
	[dreg:$0x19] =	wrdreg s18  }
0x19: {  	s21 =	simm.s32 $0x6080;
	s7 =	sshrl.u32 s5, $0x3;
	[dreg:$0x1a] =	wrdreg s19  }
0x1a: {  	s5 =	sshll.u32 s5, $0x7;
	s7 =	sadd.s32 s7, s4;
	[dreg:$0x1b] =	wrdreg s20  }
0x1b: {  	s4 =	sadd.s32 s5, s4;
	s5 =	simm.s32 $0x2480;
	[dreg:$0x1c] =	wrdreg s21  }
0x1c: {  	s23 =	simm.s32 $0x6880;
	[dreg:$0xd] =	wrdreg s5  }
0x1d: {  	s25 =	simm.s32 $0x6C80;
	[dreg:$0x1e] =	wrdreg s23  }
0x1e: {  	s3 =	ssub.s32 $0x2, s3;
	s26 =	simm.s32 $0x7080;
	[dreg:$0x1f] =	wrdreg s25  }
0x1f: {  	s24 =	sshrl.u32 s3, $0x1;
	s29 =	simm.s32 $0x7480;
	[smem:$0x7FA] =	sst s26  }
0x20: {  	s30 =	simm.s32 $0x7880;
	s3 =	ssub.s32 s3, s24;
	[smem:$0x7FB] =	sst s29  }
0x21: {  	s31 =	simm.s32 $0x7C80;
	[smem:$0x7FC] =	sst s30;
	s28 =	smax.u32 s3, $0x1  }
0x22: {  	s22 =	sadd.s32 $0x1A00, s7;
	[smem:$0x7FD] =	sst s31;
	p1 =	sne.s32 s28, $0x1  }
.Ltmp0:
0x23: {  	s4 =	sadd.s32 $0x1C00, s4;
	[dreg:$0x3] =	wrdreg s22;
	(pc) =	sbr.rel @!p1 .LBB2_3-.Ltmp0, $4  }
0x24: {  	s7 =	simm.s32 $0x2880;
	[dreg:$0x4] =	wrdreg s4  }
0x25: {  	p0 =	por $0x0, $0x0;
	[dreg:$0xe] =	wrdreg s7;
	s22 =	simm.s32 $0x6480  }
0x26: {  	s5 =	simm.s32 $0x1;
	s3 =	simm.s32 $0x2;
	[dreg:$0x1d] =	wrdreg s22  }
0x27: {  	s4 =	simm.s32 $0x80;
	s7 =	sadd.s32 $0xFFFFFFFF, s28;
	s8 =	rddreg [dreg:$0x3]  }
0x28: {  	[tilespmem:s2], [sflag:$0x2] =	stream.linear.gather [hbm4b:s8+s2], $0x20, $0x38;
	[tilespmem:$0x8080] =	vst v63  }
0x29: {  	_ =	swait.ge [sflag:s3], $0x20  }
0x2a: {  	[sflag:s3] =	ssyncset.done $0x0  }
0x2b: {  	[sflag:s3] =	ssyncadd.s32 $0xFFFFFFE0  }
0x2c: {  	v0 =	vld [tilespmem:$0x0];
	_ =	sdelay $0x4  }
0x2d: {  	v0 =	vshrl.u32 v0, $0x3  }
0x2e: {  	v0 =	vshll.u32 v0, $0x7  }
0x2f: {  	(v2sf) =	vpush v0, $0x0  }
0x30: {  	(v2sf) =	vpush v0, $0x1  }
0x31: {  	(v2sf) =	vpush v0, $0x2;
	_ =	sdelay $0x1  }
0x32: {  	s9 =	rddreg [dreg:$0x11];
	(v2sf) =	vpush v0, $0x3  }
0x33: {  	s10 =	rddreg [dreg:$0x10]  }
0x34: {  	s11 =	rddreg [dreg:$0xf];
	(v2sf) =	vpush v0, $0x4  }
0x35: {  	s12 =	rddreg [dreg:$0xe]  }
0x36: {  	s13 =	rddreg [dreg:$0xd];
	(v2sf) =	vpush v0, $0x5  }
0x37: {  	s14 =	rddreg [dreg:$0xc]  }
0x38: {  	s15 =	rddreg [dreg:$0xb];
	(v2sf) =	vpush v0, $0x6  }
0x39: {  	s16 =	rddreg [dreg:$0xa]  }
0x3a: {  	s17 =	rddreg [dreg:$0x9];
	(v2sf) =	vpush v0, $0x7  }
0x3b: {  	s18 =	rddreg [dreg:$0x8]  }
0x3c: {  	s19 =	rddreg [dreg:$0x7];
	(v2sf) =	vpush v0, $0x8  }
0x3d: {  	s20 =	rddreg [dreg:$0x6];
	s21 =	spop (v2sf)  }
0x3e: {  	s22 =	rddreg [dreg:$0x5];
	s21 =	sand.u32 $0x1FFFFF80, s21;
	s23 =	spop (v2sf);
	(v2sf) =	vpush v0, $0x9  }
0x3f: {  	s21 =	sadd.s32 s6, s21;
	s23 =	sand.u32 $0x1FFFFF80, s23;
	s24 =	spop (v2sf)  }
0x40: {  	(v2sf) =	vpush v0, $0xA;
	[tilespmem:s4], [sflag:$0x1] =	stream.linear.gather [hbm4b:s21+s2], $0x400, $0x38;
	[tilespmem:$0x8080] =	vst v63  }
0x41: {  	s29 =	sadd.s32 s6, s23;
	s30 =	sand.u32 $0x1FFFFF80, s24;
	s31 =	spop (v2sf)  }
0x42: {  	(v2sf) =	vpush v0, $0xB;
	[tilespmem:s22], [sflag:$0x1] =	stream.linear.gather [hbm4b:s29+s2], $0x400, $0x38;
	[tilespmem:$0x8080] =	vst v63  }
0x43: {  	s25 =	sadd.s32 s6, s30;
	s26 =	sand.u32 $0x1FFFFF80, s31;
	s28 =	spop (v2sf)  }
0x44: {  	(v2sf) =	vpush v0, $0xC;
	[tilespmem:s20], [sflag:$0x1] =	stream.linear.gather [hbm4b:s25+s2], $0x400, $0x38;
	[tilespmem:$0x8080] =	vst v63  }
0x45: {  	s29 =	sadd.s32 s6, s26;
	s30 =	sand.u32 $0x1FFFFF80, s28;
	s31 =	spop (v2sf)  }
0x46: {  	(v2sf) =	vpush v0, $0xD;
	[tilespmem:s19], [sflag:$0x1] =	stream.linear.gather [hbm4b:s29+s2], $0x400, $0x38;
	[tilespmem:$0x8080] =	vst v63  }
0x47: {  	s21 =	sadd.s32 s6, s30;
	s23 =	sand.u32 $0x1FFFFF80, s31;
	s24 =	spop (v2sf)  }
0x48: {  	(v2sf) =	vpush v0, $0xE;
	[tilespmem:s18], [sflag:$0x1] =	stream.linear.gather [hbm4b:s21+s2], $0x400, $0x38;
	[tilespmem:$0x8080] =	vst v63  }
0x49: {  	s25 =	sadd.s32 s6, s23;
	s26 =	sand.u32 $0x1FFFFF80, s24;
	s28 =	spop (v2sf)  }
0x4a: {  	(v2sf) =	vpush v0, $0xF;
	[tilespmem:s17], [sflag:$0x1] =	stream.linear.gather [hbm4b:s25+s2], $0x400, $0x38;
	[tilespmem:$0x8080] =	vst v63  }
0x4b: {  	s30 =	sand.u32 $0x1FFFFF80, s28;
	s31 =	spop (v2sf);
	s29 =	sadd.s32 s6, s26  }
0x4c: {  	[tilespmem:s16], [sflag:$0x1] =	stream.linear.gather [hbm4b:s29+s2], $0x400, $0x38;
	[tilespmem:$0x8080] =	vst v63  }
0x4d: {  	s20 =	sand.u32 $0x1FFFFF80, s31;
	s18 =	sadd.s32 s6, s30;
	s21 =	spop (v2sf)  }
0x4e: {  	[tilespmem:s15], [sflag:$0x1] =	stream.linear.gather [hbm4b:s18+s2], $0x400, $0x38;
	[tilespmem:$0x8080] =	vst v63  }
0x4f: {  	s22 =	sadd.s32 s6, s20;
	s23 =	sand.u32 $0x1FFFFF80, s21;
	s24 =	spop (v2sf)  }
0x50: {  	[tilespmem:s14], [sflag:$0x1] =	stream.linear.gather [hbm4b:s22+s2], $0x400, $0x38;
	[tilespmem:$0x8080] =	vst v63  }
0x51: {  	s25 =	sadd.s32 s6, s23;
	s26 =	sand.u32 $0x1FFFFF80, s24;
	s28 =	spop (v2sf)  }
0x52: {  	[tilespmem:s13], [sflag:$0x1] =	stream.linear.gather [hbm4b:s25+s2], $0x400, $0x38;
	[tilespmem:$0x8080] =	vst v63  }
0x53: {  	s29 =	sadd.s32 s6, s26;
	s30 =	sand.u32 $0x1FFFFF80, s28;
	s31 =	spop (v2sf)  }
0x54: {  	[tilespmem:s12], [sflag:$0x1] =	stream.linear.gather [hbm4b:s29+s2], $0x400, $0x38;
	[tilespmem:$0x8080] =	vst v63  }
0x55: {  	s14 =	sadd.s32 s6, s30;
	s15 =	sand.u32 $0x1FFFFF80, s31;
	s16 =	spop (v2sf)  }
0x56: {  	[tilespmem:s11], [sflag:$0x1] =	stream.linear.gather [hbm4b:s14+s2], $0x400, $0x38;
	[tilespmem:$0x8080] =	vst v63  }
0x57: {  	s17 =	sadd.s32 s6, s15;
	s18 =	sand.u32 $0x1FFFFF80, s16;
	s19 =	spop (v2sf)  }
0x58: {  	[tilespmem:s10], [sflag:$0x1] =	stream.linear.gather [hbm4b:s17+s2], $0x400, $0x38;
	[tilespmem:$0x8080] =	vst v63  }
0x59: {  	s20 =	sadd.s32 s6, s18;
	s21 =	sand.u32 $0x1FFFFF80, s19;
	s22 =	spop (v2sf)  }
0x5a: {  	[tilespmem:s9], [sflag:$0x1] =	stream.linear.gather [hbm4b:s20+s2], $0x400, $0x38;
	[tilespmem:$0x8080] =	vst v63  }
0x5b: {  	s8 =	rddreg [dreg:$0x12];
	s23 =	sadd.s32 s6, s21;
	s24 =	sand.u32 $0x1FFFFF80, s22  }
0x5c: {  	[tilespmem:s8], [sflag:$0x1] =	stream.linear.gather [hbm4b:s23+s2], $0x400, $0x38;
	[tilespmem:$0x8080] =	vst v63  }
0x5d: {  	s25 =	rddreg [dreg:$0x13];
	s26 =	sadd.s32 s6, s24  }
0x5e: {  	[tilespmem:s25], [sflag:$0x1] =	stream.linear.gather [hbm4b:s26+s2], $0x400, $0x38;
	[tilespmem:$0x8080] =	vst v63  }
0x5f: {  	v63 =	vld [tilespmem:$0x10];
	_ =	sdelay $0x4  }
0x60: {  	v0 =	vshrl.u32 v63, $0x3  }
0x61: {  	v0 =	vshll.u32 v0, $0x7  }
0x62: {  	(v2sf) =	vpush v0, $0x0  }
0x63: {  	(v2sf) =	vpush v0, $0x1  }
0x64: {  	s28 =	rddreg [dreg:$0x14];
	(v2sf) =	vpush v0, $0x2  }
0x65: {  	s30 =	rddreg [dreg:$0x15]  }
0x66: {  	s13 =	rddreg [dreg:$0x1d];
	(v2sf) =	vpush v0, $0x3  }
0x67: {  	s15 =	rddreg [dreg:$0x1b]  }
0x68: {  	s16 =	rddreg [dreg:$0x1a];
	(v2sf) =	vpush v0, $0x4  }
0x69: {  	s18 =	rddreg [dreg:$0x18]  }
0x6a: {  	s19 =	rddreg [dreg:$0x17];
	(v2sf) =	vpush v0, $0x5  }
0x6b: {  	s12 =	rddreg [dreg:$0x1e]  }
0x6c: {  	s11 =	rddreg [dreg:$0x1f];
	(v2sf) =	vpush v0, $0x6  }
0x6d: {  	s14 =	rddreg [dreg:$0x1c]  }
0x6e: {  	s10 =	sld [smem:$0x7FA];
	(v2sf) =	vpush v0, $0x7  }
0x6f: {  	s17 =	rddreg [dreg:$0x19]  }
0x70: {  	s9 =	sld [smem:$0x7FB];
	(v2sf) =	vpush v0, $0x8  }
0x71: {  	s20 =	rddreg [dreg:$0x16];
	s29 =	spop (v2sf)  }
0x72: {  	s8 =	sld [smem:$0x7FC];
	(v2sf) =	vpush v0, $0x9;
	s22 =	sand.u32 $0x1FFFFF80, s29;
	s31 =	spop (v2sf)  }
0x73: {  	s22 =	sadd.s32 s6, s22;
	s24 =	sand.u32 $0x1FFFFF80, s31;
	s25 =	spop (v2sf)  }
0x74: {  	(v2sf) =	vpush v0, $0xA;
	[tilespmem:s28], [sflag:$0x1] =	stream.linear.gather [hbm4b:s22+s2], $0x400, $0x38;
	[tilespmem:$0x8080] =	vst v63  }
0x75: {  	s24 =	sadd.s32 s6, s24;
	s26 =	sand.u32 $0x1FFFFF80, s25;
	s28 =	spop (v2sf)  }
0x76: {  	(v2sf) =	vpush v0, $0xB;
	[tilespmem:s30], [sflag:$0x1] =	stream.linear.gather [hbm4b:s24+s2], $0x400, $0x38;
	[tilespmem:$0x8080] =	vst v63  }
0x77: {  	s29 =	sadd.s32 s6, s26;
	s31 =	spop (v2sf);
	s30 =	sand.u32 $0x1FFFFF80, s28  }
0x78: {  	(v2sf) =	vpush v0, $0xC;
	[tilespmem:s20], [sflag:$0x1] =	stream.linear.gather [hbm4b:s29+s2], $0x400, $0x38;
	[tilespmem:$0x8080] =	vst v63  }
0x79: {  	s23 =	sand.u32 $0x1FFFFF80, s31;
	s24 =	spop (v2sf);
	s22 =	sadd.s32 s6, s30  }
0x7a: {  	(v2sf) =	vpush v0, $0xD;
	[tilespmem:s19], [sflag:$0x1] =	stream.linear.gather [hbm4b:s22+s2], $0x400, $0x38;
	[tilespmem:$0x8080] =	vst v63  }
0x7b: {  	s25 =	sadd.s32 s6, s23;
	s26 =	sand.u32 $0x1FFFFF80, s24;
	s28 =	spop (v2sf)  }
0x7c: {  	(v2sf) =	vpush v0, $0xE;
	[tilespmem:s18], [sflag:$0x1] =	stream.linear.gather [hbm4b:s25+s2], $0x400, $0x38;
	[tilespmem:$0x8080] =	vst v63  }
0x7d: {  	s29 =	sadd.s32 s6, s26;
	s30 =	sand.u32 $0x1FFFFF80, s28;
	s31 =	spop (v2sf)  }
0x7e: {  	(v2sf) =	vpush v0, $0xF;
	[tilespmem:s17], [sflag:$0x1] =	stream.linear.gather [hbm4b:s29+s2], $0x400, $0x38;
	[tilespmem:$0x8080] =	vst v63  }
0x7f: {  	s20 =	sand.u32 $0x1FFFFF80, s31;
	s21 =	spop (v2sf);
	s19 =	sadd.s32 s6, s30  }
0x80: {  	[tilespmem:s16], [sflag:$0x1] =	stream.linear.gather [hbm4b:s19+s2], $0x400, $0x38;
	[tilespmem:$0x8080] =	vst v63  }
0x81: {  	s22 =	sadd.s32 s6, s20;
	s23 =	sand.u32 $0x1FFFFF80, s21;
	s24 =	spop (v2sf)  }
0x82: {  	[tilespmem:s15], [sflag:$0x1] =	stream.linear.gather [hbm4b:s22+s2], $0x400, $0x38;
	[tilespmem:$0x8080] =	vst v63  }
0x83: {  	s25 =	sadd.s32 s6, s23;
	s26 =	sand.u32 $0x1FFFFF80, s24;
	s28 =	spop (v2sf)  }
0x84: {  	[tilespmem:s14], [sflag:$0x1] =	stream.linear.gather [hbm4b:s25+s2], $0x400, $0x38;
	[tilespmem:$0x8080] =	vst v63  }
0x85: {  	s29 =	sadd.s32 s6, s26;
	s30 =	sand.u32 $0x1FFFFF80, s28;
	s31 =	spop (v2sf)  }
0x86: {  	[tilespmem:s13], [sflag:$0x1] =	stream.linear.gather [hbm4b:s29+s2], $0x400, $0x38;
	[tilespmem:$0x8080] =	vst v63  }
0x87: {  	s15 =	sand.u32 $0x1FFFFF80, s31;
	s16 =	spop (v2sf);
	s14 =	sadd.s32 s6, s30  }
0x88: {  	[tilespmem:s12], [sflag:$0x1] =	stream.linear.gather [hbm4b:s14+s2], $0x400, $0x38;
	[tilespmem:$0x8080] =	vst v63  }
0x89: {  	s17 =	sadd.s32 s6, s15;
	s18 =	sand.u32 $0x1FFFFF80, s16;
	s19 =	spop (v2sf)  }
0x8a: {  	[tilespmem:s11], [sflag:$0x1] =	stream.linear.gather [hbm4b:s17+s2], $0x400, $0x38;
	[tilespmem:$0x8080] =	vst v63  }
0x8b: {  	s20 =	sadd.s32 s6, s18;
	s21 =	sand.u32 $0x1FFFFF80, s19;
	s22 =	spop (v2sf)  }
0x8c: {  	[tilespmem:s10], [sflag:$0x1] =	stream.linear.gather [hbm4b:s20+s2], $0x400, $0x38;
	[tilespmem:$0x8080] =	vst v63  }
0x8d: {  	s23 =	sadd.s32 s6, s21;
	s24 =	sand.u32 $0x1FFFFF80, s22;
	s25 =	spop (v2sf)  }
0x8e: {  	[tilespmem:s9], [sflag:$0x1] =	stream.linear.gather [hbm4b:s23+s2], $0x400, $0x38;
	[tilespmem:$0x8080] =	vst v63  }
0x8f: {  	s29 =	sld [smem:$0x7FD];
	s26 =	sadd.s32 s6, s24;
	s28 =	sand.u32 $0x1FFFFF80, s25  }
0x90: {  	[tilespmem:s8], [sflag:$0x1] =	stream.linear.gather [hbm4b:s26+s2], $0x400, $0x38;
	[tilespmem:$0x8080] =	vst v63  }
0x91: {  	s30 =	sadd.s32 s6, s28  }
0x92: {  	[tilespmem:s29], [sflag:$0x1] =	stream.linear.gather [hbm4b:s30+s2], $0x400, $0x38;
	[tilespmem:$0x8080] =	vst v63  }
0x93: {  	_ =	swait.ge [sflag:s5], $0x400  }
0x94: {  	[sflag:s5] =	ssyncset.done $0x0  }
0x95: {  	[sflag:s5] =	ssyncadd.s32 $0xFFFFFC00  }
0x96: {  	_ =	swait.ge [sflag:s5], $0x400  }
0x97: {  	[sflag:s5] =	ssyncset.done $0x0  }
0x98: {  	[sflag:s5] =	ssyncadd.s32 $0xFFFFFC00  }
0x99: {  	_ =	swait.ge [sflag:s5], $0x400  }
0x9a: {  	[sflag:s5] =	ssyncset.done $0x0  }
0x9b: {  	[sflag:s5] =	ssyncadd.s32 $0xFFFFFC00  }
0x9c: {  	_ =	swait.ge [sflag:s5], $0x400  }
0x9d: {  	[sflag:s5] =	ssyncset.done $0x0  }
0x9e: {  	[sflag:s5] =	ssyncadd.s32 $0xFFFFFC00  }
0x9f: {  	_ =	swait.ge [sflag:s5], $0x400  }
0xa0: {  	[sflag:s5] =	ssyncset.done $0x0  }
0xa1: {  	[sflag:s5] =	ssyncadd.s32 $0xFFFFFC00  }
0xa2: {  	_ =	swait.ge [sflag:s5], $0x400  }
0xa3: {  	[sflag:s5] =	ssyncset.done $0x0  }
0xa4: {  	[sflag:s5] =	ssyncadd.s32 $0xFFFFFC00  }
0xa5: {  	_ =	swait.ge [sflag:s5], $0x400  }
0xa6: {  	[sflag:s5] =	ssyncset.done $0x0  }
0xa7: {  	[sflag:s5] =	ssyncadd.s32 $0xFFFFFC00  }
0xa8: {  	_ =	swait.ge [sflag:s5], $0x400  }
0xa9: {  	[sflag:s5] =	ssyncset.done $0x0  }
0xaa: {  	[sflag:s5] =	ssyncadd.s32 $0xFFFFFC00  }
0xab: {  	_ =	swait.ge [sflag:s5], $0x400  }
0xac: {  	[sflag:s5] =	ssyncset.done $0x0  }
0xad: {  	[sflag:s5] =	ssyncadd.s32 $0xFFFFFC00  }
0xae: {  	_ =	swait.ge [sflag:s5], $0x400  }
0xaf: {  	[sflag:s5] =	ssyncset.done $0x0  }
0xb0: {  	[sflag:s5] =	ssyncadd.s32 $0xFFFFFC00  }
0xb1: {  	_ =	swait.ge [sflag:s5], $0x400  }
0xb2: {  	[sflag:s5] =	ssyncset.done $0x0  }
0xb3: {  	[sflag:s5] =	ssyncadd.s32 $0xFFFFFC00  }
0xb4: {  	_ =	swait.ge [sflag:s5], $0x400  }
0xb5: {  	[sflag:s5] =	ssyncset.done $0x0  }
0xb6: {  	[sflag:s5] =	ssyncadd.s32 $0xFFFFFC00  }
0xb7: {  	_ =	swait.ge [sflag:s5], $0x400  }
0xb8: {  	[sflag:s5] =	ssyncset.done $0x0  }
0xb9: {  	[sflag:s5] =	ssyncadd.s32 $0xFFFFFC00  }
0xba: {  	_ =	swait.ge [sflag:s5], $0x400  }
0xbb: {  	[sflag:s5] =	ssyncset.done $0x0  }
0xbc: {  	[sflag:s5] =	ssyncadd.s32 $0xFFFFFC00  }
0xbd: {  	_ =	swait.ge [sflag:s5], $0x400  }
0xbe: {  	[sflag:s5] =	ssyncset.done $0x0  }
0xbf: {  	[sflag:s5] =	ssyncadd.s32 $0xFFFFFC00  }
0xc0: {  	_ =	swait.ge [sflag:s5], $0x400  }
0xc1: {  	[sflag:s5] =	ssyncset.done $0x0  }
0xc2: {  	[sflag:s5] =	ssyncadd.s32 $0xFFFFFC00  }
0xc3: {  	_ =	swait.ge [sflag:s5], $0x400  }
0xc4: {  	[sflag:s5] =	ssyncset.done $0x0  }
0xc5: {  	[sflag:s5] =	ssyncadd.s32 $0xFFFFFC00  }
0xc6: {  	_ =	swait.ge [sflag:s5], $0x400  }
0xc7: {  	[sflag:s5] =	ssyncset.done $0x0  }
0xc8: {  	[sflag:s5] =	ssyncadd.s32 $0xFFFFFC00  }
0xc9: {  	_ =	swait.ge [sflag:s5], $0x400  }
0xca: {  	[sflag:s5] =	ssyncset.done $0x0  }
0xcb: {  	[sflag:s5] =	ssyncadd.s32 $0xFFFFFC00  }
0xcc: {  	_ =	swait.ge [sflag:s5], $0x400  }
0xcd: {  	[sflag:s5] =	ssyncset.done $0x0  }
0xce: {  	[sflag:s5] =	ssyncadd.s32 $0xFFFFFC00  }
0xcf: {  	_ =	swait.ge [sflag:s5], $0x400  }
0xd0: {  	[sflag:s5] =	ssyncset.done $0x0  }
0xd1: {  	[sflag:s5] =	ssyncadd.s32 $0xFFFFFC00  }
0xd2: {  	_ =	swait.ge [sflag:s5], $0x400  }
0xd3: {  	[sflag:s5] =	ssyncset.done $0x0  }
0xd4: {  	[sflag:s5] =	ssyncadd.s32 $0xFFFFFC00  }
0xd5: {  	_ =	swait.ge [sflag:s5], $0x400  }
0xd6: {  	[sflag:s5] =	ssyncset.done $0x0  }
0xd7: {  	[sflag:s5] =	ssyncadd.s32 $0xFFFFFC00  }
0xd8: {  	_ =	swait.ge [sflag:s5], $0x400  }
0xd9: {  	[sflag:s5] =	ssyncset.done $0x0  }
0xda: {  	[sflag:s5] =	ssyncadd.s32 $0xFFFFFC00  }
0xdb: {  	_ =	swait.ge [sflag:s5], $0x400  }
0xdc: {  	[sflag:s5] =	ssyncset.done $0x0  }
0xdd: {  	[sflag:s5] =	ssyncadd.s32 $0xFFFFFC00  }
0xde: {  	_ =	swait.ge [sflag:s5], $0x400  }
0xdf: {  	[sflag:s5] =	ssyncset.done $0x0  }
0xe0: {  	[sflag:s5] =	ssyncadd.s32 $0xFFFFFC00  }
0xe1: {  	_ =	swait.ge [sflag:s5], $0x400  }
0xe2: {  	[sflag:s5] =	ssyncset.done $0x0  }
0xe3: {  	[sflag:s5] =	ssyncadd.s32 $0xFFFFFC00  }
0xe4: {  	_ =	swait.ge [sflag:s5], $0x400  }
0xe5: {  	[sflag:s5] =	ssyncset.done $0x0  }
0xe6: {  	[sflag:s5] =	ssyncadd.s32 $0xFFFFFC00  }
0xe7: {  	_ =	swait.ge [sflag:s5], $0x400  }
0xe8: {  	[sflag:s5] =	ssyncset.done $0x0  }
0xe9: {  	[sflag:s5] =	ssyncadd.s32 $0xFFFFFC00  }
0xea: {  	_ =	swait.ge [sflag:s5], $0x400  }
0xeb: {  	[sflag:s5] =	ssyncset.done $0x0  }
0xec: {  	[sflag:s5] =	ssyncadd.s32 $0xFFFFFC00  }
0xed: {  	_ =	swait.ge [sflag:s5], $0x400  }
0xee: {  	[sflag:s5] =	ssyncset.done $0x0  }
0xef: {  	[sflag:s5] =	ssyncadd.s32 $0xFFFFFC00  }
0xf0: {  	p1 =	sne.s32 s7, $0x1;
	_ =	swait.ge [sflag:s5], $0x400  }
.Ltmp1:
0xf1: {  	[sflag:s5] =	ssyncset.done $0x0;
	(pc) =	sbr.rel @!p1 .LBB2_3-.Ltmp1, $4  }
0xf2: {  	s31 =	rddreg [dreg:$0x4];
	[sflag:s5] =	ssyncadd.s32 $0xFFFFFC00  }
0xf3: {  	[hbm4b:s31+s2] =	stream.linear.scatter [tilespmem:s4], [sflag:$0x2], $0x8000, $0x38;
	[tilespmem:$0x8080] =	vst v63  }
0xf4: {  	s7 =	sadd.s32 $0xFFFFFFFF, s7;
	_ =	swait.ge [sflag:s3], $0x8000  }
0xf5: {  	p0 =	por $0x1, $0x1;
	s8 =	rddreg [dreg:$0x3];
	[sflag:s3] =	ssyncset.done $0x0  }
.LBB2_2:
0xf6: {  	[sflag:s3] =	ssyncadd.s32 $0xFFFF8000  }
0xf7: {  	[tilespmem:s2], [sflag:$0x2] =	stream.linear.gather [hbm4b:s8+s2], $0x20, $0x38;
	[tilespmem:$0x8080] =	vst v63  }
0xf8: {  	_ =	swait.ge [sflag:s3], $0x20  }
0xf9: {  	[sflag:s3] =	ssyncset.done $0x0  }
0xfa: {  	[sflag:s3] =	ssyncadd.s32 $0xFFFFFFE0  }
0xfb: {  	v0 =	vld [tilespmem:$0x0];
	_ =	sdelay $0x4  }
0xfc: {  	v0 =	vshrl.u32 v0, $0x3  }
0xfd: {  	v0 =	vshll.u32 v0, $0x7  }
0xfe: {  	(v2sf) =	vpush v0, $0x0  }
0xff: {  	(v2sf) =	vpush v0, $0x1  }
0x100: {  	(v2sf) =	vpush v0, $0x2;
	_ =	sdelay $0x1  }
0x101: {  	s9 =	rddreg [dreg:$0x11];
	(v2sf) =	vpush v0, $0x3  }
0x102: {  	s10 =	rddreg [dreg:$0x10]  }
0x103: {  	s11 =	rddreg [dreg:$0xf];
	(v2sf) =	vpush v0, $0x4  }
0x104: {  	s12 =	rddreg [dreg:$0xe]  }
0x105: {  	s13 =	rddreg [dreg:$0xd];
	(v2sf) =	vpush v0, $0x5  }
0x106: {  	s14 =	rddreg [dreg:$0xc]  }
0x107: {  	s15 =	rddreg [dreg:$0xb];
	(v2sf) =	vpush v0, $0x6  }
0x108: {  	s16 =	rddreg [dreg:$0xa]  }
0x109: {  	s17 =	rddreg [dreg:$0x9];
	(v2sf) =	vpush v0, $0x7  }
0x10a: {  	s18 =	rddreg [dreg:$0x8]  }
0x10b: {  	s19 =	rddreg [dreg:$0x7];
	(v2sf) =	vpush v0, $0x8  }
0x10c: {  	s20 =	rddreg [dreg:$0x6];
	s21 =	spop (v2sf)  }
0x10d: {  	s22 =	rddreg [dreg:$0x5];
	s21 =	sand.u32 $0x1FFFFF80, s21;
	s23 =	spop (v2sf);
	(v2sf) =	vpush v0, $0x9  }
0x10e: {  	s21 =	sadd.s32 s6, s21;
	s23 =	sand.u32 $0x1FFFFF80, s23;
	s24 =	spop (v2sf)  }
0x10f: {  	(v2sf) =	vpush v0, $0xA;
	[tilespmem:s4], [sflag:$0x1] =	stream.linear.gather [hbm4b:s21+s2], $0x400, $0x38;
	[tilespmem:$0x8080] =	vst v63  }
0x110: {  	s29 =	sadd.s32 s6, s23;
	s30 =	sand.u32 $0x1FFFFF80, s24;
	s31 =	spop (v2sf)  }
0x111: {  	(v2sf) =	vpush v0, $0xB;
	[tilespmem:s22], [sflag:$0x1] =	stream.linear.gather [hbm4b:s29+s2], $0x400, $0x38;
	[tilespmem:$0x8080] =	vst v63  }
0x112: {  	s25 =	sadd.s32 s6, s30;
	s26 =	sand.u32 $0x1FFFFF80, s31;
	s28 =	spop (v2sf)  }
0x113: {  	(v2sf) =	vpush v0, $0xC;
	[tilespmem:s20], [sflag:$0x1] =	stream.linear.gather [hbm4b:s25+s2], $0x400, $0x38;
	[tilespmem:$0x8080] =	vst v63  }
0x114: {  	s29 =	sadd.s32 s6, s26;
	s30 =	sand.u32 $0x1FFFFF80, s28;
	s31 =	spop (v2sf)  }
0x115: {  	(v2sf) =	vpush v0, $0xD;
	[tilespmem:s19], [sflag:$0x1] =	stream.linear.gather [hbm4b:s29+s2], $0x400, $0x38;
	[tilespmem:$0x8080] =	vst v63  }
0x116: {  	s21 =	sadd.s32 s6, s30;
	s23 =	sand.u32 $0x1FFFFF80, s31;
	s24 =	spop (v2sf)  }
0x117: {  	(v2sf) =	vpush v0, $0xE;
	[tilespmem:s18], [sflag:$0x1] =	stream.linear.gather [hbm4b:s21+s2], $0x400, $0x38;
	[tilespmem:$0x8080] =	vst v63  }
0x118: {  	s25 =	sadd.s32 s6, s23;
	s26 =	sand.u32 $0x1FFFFF80, s24;
	s28 =	spop (v2sf)  }
0x119: {  	(v2sf) =	vpush v0, $0xF;
	[tilespmem:s17], [sflag:$0x1] =	stream.linear.gather [hbm4b:s25+s2], $0x400, $0x38;
	[tilespmem:$0x8080] =	vst v63  }
0x11a: {  	s30 =	sand.u32 $0x1FFFFF80, s28;
	s31 =	spop (v2sf);
	s29 =	sadd.s32 s6, s26  }
0x11b: {  	[tilespmem:s16], [sflag:$0x1] =	stream.linear.gather [hbm4b:s29+s2], $0x400, $0x38;
	[tilespmem:$0x8080] =	vst v63  }
0x11c: {  	s20 =	sand.u32 $0x1FFFFF80, s31;
	s18 =	sadd.s32 s6, s30;
	s21 =	spop (v2sf)  }
0x11d: {  	[tilespmem:s15], [sflag:$0x1] =	stream.linear.gather [hbm4b:s18+s2], $0x400, $0x38;
	[tilespmem:$0x8080] =	vst v63  }
0x11e: {  	s22 =	sadd.s32 s6, s20;
	s23 =	sand.u32 $0x1FFFFF80, s21;
	s24 =	spop (v2sf)  }
0x11f: {  	[tilespmem:s14], [sflag:$0x1] =	stream.linear.gather [hbm4b:s22+s2], $0x400, $0x38;
	[tilespmem:$0x8080] =	vst v63  }
0x120: {  	s25 =	sadd.s32 s6, s23;
	s26 =	sand.u32 $0x1FFFFF80, s24;
	s28 =	spop (v2sf)  }
0x121: {  	[tilespmem:s13], [sflag:$0x1] =	stream.linear.gather [hbm4b:s25+s2], $0x400, $0x38;
	[tilespmem:$0x8080] =	vst v63  }
0x122: {  	s29 =	sadd.s32 s6, s26;
	s30 =	sand.u32 $0x1FFFFF80, s28;
	s31 =	spop (v2sf)  }
0x123: {  	[tilespmem:s12], [sflag:$0x1] =	stream.linear.gather [hbm4b:s29+s2], $0x400, $0x38;
	[tilespmem:$0x8080] =	vst v63  }
0x124: {  	s14 =	sadd.s32 s6, s30;
	s15 =	sand.u32 $0x1FFFFF80, s31;
	s16 =	spop (v2sf)  }
0x125: {  	[tilespmem:s11], [sflag:$0x1] =	stream.linear.gather [hbm4b:s14+s2], $0x400, $0x38;
	[tilespmem:$0x8080] =	vst v63  }
0x126: {  	s17 =	sadd.s32 s6, s15;
	s18 =	sand.u32 $0x1FFFFF80, s16;
	s19 =	spop (v2sf)  }
0x127: {  	[tilespmem:s10], [sflag:$0x1] =	stream.linear.gather [hbm4b:s17+s2], $0x400, $0x38;
	[tilespmem:$0x8080] =	vst v63  }
0x128: {  	s20 =	sadd.s32 s6, s18;
	s21 =	sand.u32 $0x1FFFFF80, s19;
	s22 =	spop (v2sf)  }
0x129: {  	[tilespmem:s9], [sflag:$0x1] =	stream.linear.gather [hbm4b:s20+s2], $0x400, $0x38;
	[tilespmem:$0x8080] =	vst v63  }
0x12a: {  	s8 =	rddreg [dreg:$0x12];
	s23 =	sadd.s32 s6, s21;
	s24 =	sand.u32 $0x1FFFFF80, s22  }
0x12b: {  	[tilespmem:s8], [sflag:$0x1] =	stream.linear.gather [hbm4b:s23+s2], $0x400, $0x38;
	[tilespmem:$0x8080] =	vst v63  }
0x12c: {  	s25 =	rddreg [dreg:$0x13];
	s26 =	sadd.s32 s6, s24  }
0x12d: {  	[tilespmem:s25], [sflag:$0x1] =	stream.linear.gather [hbm4b:s26+s2], $0x400, $0x38;
	[tilespmem:$0x8080] =	vst v63  }
0x12e: {  	v63 =	vld [tilespmem:$0x10];
	_ =	sdelay $0x4  }
0x12f: {  	v0 =	vshrl.u32 v63, $0x3  }
0x130: {  	v0 =	vshll.u32 v0, $0x7  }
0x131: {  	(v2sf) =	vpush v0, $0x0  }
0x132: {  	(v2sf) =	vpush v0, $0x1  }
0x133: {  	s28 =	rddreg [dreg:$0x14];
	(v2sf) =	vpush v0, $0x2  }
0x134: {  	s30 =	rddreg [dreg:$0x15]  }
0x135: {  	s13 =	rddreg [dreg:$0x1d];
	(v2sf) =	vpush v0, $0x3  }
0x136: {  	s15 =	rddreg [dreg:$0x1b]  }
0x137: {  	s16 =	rddreg [dreg:$0x1a];
	(v2sf) =	vpush v0, $0x4  }
0x138: {  	s18 =	rddreg [dreg:$0x18]  }
0x139: {  	s19 =	rddreg [dreg:$0x17];
	(v2sf) =	vpush v0, $0x5  }
0x13a: {  	s12 =	rddreg [dreg:$0x1e]  }
0x13b: {  	s11 =	rddreg [dreg:$0x1f];
	(v2sf) =	vpush v0, $0x6  }
0x13c: {  	s14 =	rddreg [dreg:$0x1c]  }
0x13d: {  	s10 =	sld [smem:$0x7FA];
	(v2sf) =	vpush v0, $0x7  }
0x13e: {  	s17 =	rddreg [dreg:$0x19]  }
0x13f: {  	s9 =	sld [smem:$0x7FB];
	(v2sf) =	vpush v0, $0x8  }
0x140: {  	s20 =	rddreg [dreg:$0x16];
	s29 =	spop (v2sf)  }
0x141: {  	s8 =	sld [smem:$0x7FC];
	s22 =	sand.u32 $0x1FFFFF80, s29;
	s31 =	spop (v2sf);
	(v2sf) =	vpush v0, $0x9  }
0x142: {  	s22 =	sadd.s32 s6, s22;
	s24 =	sand.u32 $0x1FFFFF80, s31;
	s25 =	spop (v2sf)  }
0x143: {  	(v2sf) =	vpush v0, $0xA;
	[tilespmem:s28], [sflag:$0x1] =	stream.linear.gather [hbm4b:s22+s2], $0x400, $0x38;
	[tilespmem:$0x8080] =	vst v63  }
0x144: {  	s24 =	sadd.s32 s6, s24;
	s26 =	sand.u32 $0x1FFFFF80, s25;
	s28 =	spop (v2sf)  }
0x145: {  	(v2sf) =	vpush v0, $0xB;
	[tilespmem:s30], [sflag:$0x1] =	stream.linear.gather [hbm4b:s24+s2], $0x400, $0x38;
	[tilespmem:$0x8080] =	vst v63  }
0x146: {  	s29 =	sadd.s32 s6, s26;
	s31 =	spop (v2sf);
	s30 =	sand.u32 $0x1FFFFF80, s28  }
0x147: {  	(v2sf) =	vpush v0, $0xC;
	[tilespmem:s20], [sflag:$0x1] =	stream.linear.gather [hbm4b:s29+s2], $0x400, $0x38;
	[tilespmem:$0x8080] =	vst v63  }
0x148: {  	s23 =	sand.u32 $0x1FFFFF80, s31;
	s24 =	spop (v2sf);
	s22 =	sadd.s32 s6, s30  }
0x149: {  	(v2sf) =	vpush v0, $0xD;
	[tilespmem:s19], [sflag:$0x1] =	stream.linear.gather [hbm4b:s22+s2], $0x400, $0x38;
	[tilespmem:$0x8080] =	vst v63  }
0x14a: {  	s25 =	sadd.s32 s6, s23;
	s26 =	sand.u32 $0x1FFFFF80, s24;
	s28 =	spop (v2sf)  }
0x14b: {  	(v2sf) =	vpush v0, $0xE;
	[tilespmem:s18], [sflag:$0x1] =	stream.linear.gather [hbm4b:s25+s2], $0x400, $0x38;
	[tilespmem:$0x8080] =	vst v63  }
0x14c: {  	s29 =	sadd.s32 s6, s26;
	s30 =	sand.u32 $0x1FFFFF80, s28;
	s31 =	spop (v2sf)  }
0x14d: {  	(v2sf) =	vpush v0, $0xF;
	[tilespmem:s17], [sflag:$0x1] =	stream.linear.gather [hbm4b:s29+s2], $0x400, $0x38;
	[tilespmem:$0x8080] =	vst v63  }
0x14e: {  	s20 =	sand.u32 $0x1FFFFF80, s31;
	s21 =	spop (v2sf);
	s19 =	sadd.s32 s6, s30  }
0x14f: {  	[tilespmem:s16], [sflag:$0x1] =	stream.linear.gather [hbm4b:s19+s2], $0x400, $0x38;
	[tilespmem:$0x8080] =	vst v63  }
0x150: {  	s22 =	sadd.s32 s6, s20;
	s23 =	sand.u32 $0x1FFFFF80, s21;
	s24 =	spop (v2sf)  }
0x151: {  	[tilespmem:s15], [sflag:$0x1] =	stream.linear.gather [hbm4b:s22+s2], $0x400, $0x38;
	[tilespmem:$0x8080] =	vst v63  }
0x152: {  	s25 =	sadd.s32 s6, s23;
	s26 =	sand.u32 $0x1FFFFF80, s24;
	s28 =	spop (v2sf)  }
0x153: {  	[tilespmem:s14], [sflag:$0x1] =	stream.linear.gather [hbm4b:s25+s2], $0x400, $0x38;
	[tilespmem:$0x8080] =	vst v63  }
0x154: {  	s29 =	sadd.s32 s6, s26;
	s30 =	sand.u32 $0x1FFFFF80, s28;
	s31 =	spop (v2sf)  }
0x155: {  	[tilespmem:s13], [sflag:$0x1] =	stream.linear.gather [hbm4b:s29+s2], $0x400, $0x38;
	[tilespmem:$0x8080] =	vst v63  }
0x156: {  	s14 =	sadd.s32 s6, s30;
	s15 =	sand.u32 $0x1FFFFF80, s31;
	s16 =	spop (v2sf)  }
0x157: {  	[tilespmem:s12], [sflag:$0x1] =	stream.linear.gather [hbm4b:s14+s2], $0x400, $0x38;
	[tilespmem:$0x8080] =	vst v63  }
0x158: {  	s17 =	sadd.s32 s6, s15;
	s18 =	sand.u32 $0x1FFFFF80, s16;
	s19 =	spop (v2sf)  }
0x159: {  	[tilespmem:s11], [sflag:$0x1] =	stream.linear.gather [hbm4b:s17+s2], $0x400, $0x38;
	[tilespmem:$0x8080] =	vst v63  }
0x15a: {  	s20 =	sadd.s32 s6, s18;
	s21 =	sand.u32 $0x1FFFFF80, s19;
	s22 =	spop (v2sf)  }
0x15b: {  	[tilespmem:s10], [sflag:$0x1] =	stream.linear.gather [hbm4b:s20+s2], $0x400, $0x38;
	[tilespmem:$0x8080] =	vst v63  }
0x15c: {  	s23 =	sadd.s32 s6, s21;
	s24 =	sand.u32 $0x1FFFFF80, s22;
	s25 =	spop (v2sf)  }
0x15d: {  	[tilespmem:s9], [sflag:$0x1] =	stream.linear.gather [hbm4b:s23+s2], $0x400, $0x38;
	[tilespmem:$0x8080] =	vst v63  }
0x15e: {  	s29 =	sld [smem:$0x7FD];
	s26 =	sadd.s32 s6, s24;
	s28 =	sand.u32 $0x1FFFFF80, s25  }
0x15f: {  	[tilespmem:s8], [sflag:$0x1] =	stream.linear.gather [hbm4b:s26+s2], $0x400, $0x38;
	[tilespmem:$0x8080] =	vst v63  }
0x160: {  	s30 =	sadd.s32 s6, s28  }
0x161: {  	[tilespmem:s29], [sflag:$0x1] =	stream.linear.gather [hbm4b:s30+s2], $0x400, $0x38;
	[tilespmem:$0x8080] =	vst v63  }
0x162: {  	_ =	swait.ge [sflag:s5], $0x400  }
0x163: {  	[sflag:s5] =	ssyncset.done $0x0  }
0x164: {  	[sflag:s5] =	ssyncadd.s32 $0xFFFFFC00  }
0x165: {  	_ =	swait.ge [sflag:s5], $0x400  }
0x166: {  	[sflag:s5] =	ssyncset.done $0x0  }
0x167: {  	[sflag:s5] =	ssyncadd.s32 $0xFFFFFC00  }
0x168: {  	_ =	swait.ge [sflag:s5], $0x400  }
0x169: {  	[sflag:s5] =	ssyncset.done $0x0  }
0x16a: {  	[sflag:s5] =	ssyncadd.s32 $0xFFFFFC00  }
0x16b: {  	_ =	swait.ge [sflag:s5], $0x400  }
0x16c: {  	[sflag:s5] =	ssyncset.done $0x0  }
0x16d: {  	[sflag:s5] =	ssyncadd.s32 $0xFFFFFC00  }
0x16e: {  	_ =	swait.ge [sflag:s5], $0x400  }
0x16f: {  	[sflag:s5] =	ssyncset.done $0x0  }
0x170: {  	[sflag:s5] =	ssyncadd.s32 $0xFFFFFC00  }
0x171: {  	_ =	swait.ge [sflag:s5], $0x400  }
0x172: {  	[sflag:s5] =	ssyncset.done $0x0  }
0x173: {  	[sflag:s5] =	ssyncadd.s32 $0xFFFFFC00  }
0x174: {  	_ =	swait.ge [sflag:s5], $0x400  }
0x175: {  	[sflag:s5] =	ssyncset.done $0x0  }
0x176: {  	[sflag:s5] =	ssyncadd.s32 $0xFFFFFC00  }
0x177: {  	_ =	swait.ge [sflag:s5], $0x400  }
0x178: {  	[sflag:s5] =	ssyncset.done $0x0  }
0x179: {  	[sflag:s5] =	ssyncadd.s32 $0xFFFFFC00  }
0x17a: {  	_ =	swait.ge [sflag:s5], $0x400  }
0x17b: {  	[sflag:s5] =	ssyncset.done $0x0  }
0x17c: {  	[sflag:s5] =	ssyncadd.s32 $0xFFFFFC00  }
0x17d: {  	_ =	swait.ge [sflag:s5], $0x400  }
0x17e: {  	[sflag:s5] =	ssyncset.done $0x0  }
0x17f: {  	[sflag:s5] =	ssyncadd.s32 $0xFFFFFC00  }
0x180: {  	_ =	swait.ge [sflag:s5], $0x400  }
0x181: {  	[sflag:s5] =	ssyncset.done $0x0  }
0x182: {  	[sflag:s5] =	ssyncadd.s32 $0xFFFFFC00  }
0x183: {  	_ =	swait.ge [sflag:s5], $0x400  }
0x184: {  	[sflag:s5] =	ssyncset.done $0x0  }
0x185: {  	[sflag:s5] =	ssyncadd.s32 $0xFFFFFC00  }
0x186: {  	_ =	swait.ge [sflag:s5], $0x400  }
0x187: {  	[sflag:s5] =	ssyncset.done $0x0  }
0x188: {  	[sflag:s5] =	ssyncadd.s32 $0xFFFFFC00  }
0x189: {  	_ =	swait.ge [sflag:s5], $0x400  }
0x18a: {  	[sflag:s5] =	ssyncset.done $0x0  }
0x18b: {  	[sflag:s5] =	ssyncadd.s32 $0xFFFFFC00  }
0x18c: {  	_ =	swait.ge [sflag:s5], $0x400  }
0x18d: {  	[sflag:s5] =	ssyncset.done $0x0  }
0x18e: {  	[sflag:s5] =	ssyncadd.s32 $0xFFFFFC00  }
0x18f: {  	_ =	swait.ge [sflag:s5], $0x400  }
0x190: {  	[sflag:s5] =	ssyncset.done $0x0  }
0x191: {  	[sflag:s5] =	ssyncadd.s32 $0xFFFFFC00  }
0x192: {  	_ =	swait.ge [sflag:s5], $0x400  }
0x193: {  	[sflag:s5] =	ssyncset.done $0x0  }
0x194: {  	[sflag:s5] =	ssyncadd.s32 $0xFFFFFC00  }
0x195: {  	_ =	swait.ge [sflag:s5], $0x400  }
0x196: {  	[sflag:s5] =	ssyncset.done $0x0  }
0x197: {  	[sflag:s5] =	ssyncadd.s32 $0xFFFFFC00  }
0x198: {  	_ =	swait.ge [sflag:s5], $0x400  }
0x199: {  	[sflag:s5] =	ssyncset.done $0x0  }
0x19a: {  	[sflag:s5] =	ssyncadd.s32 $0xFFFFFC00  }
0x19b: {  	_ =	swait.ge [sflag:s5], $0x400  }
0x19c: {  	[sflag:s5] =	ssyncset.done $0x0  }
0x19d: {  	[sflag:s5] =	ssyncadd.s32 $0xFFFFFC00  }
0x19e: {  	_ =	swait.ge [sflag:s5], $0x400  }
0x19f: {  	[sflag:s5] =	ssyncset.done $0x0  }
0x1a0: {  	[sflag:s5] =	ssyncadd.s32 $0xFFFFFC00  }
0x1a1: {  	_ =	swait.ge [sflag:s5], $0x400  }
0x1a2: {  	[sflag:s5] =	ssyncset.done $0x0  }
0x1a3: {  	[sflag:s5] =	ssyncadd.s32 $0xFFFFFC00  }
0x1a4: {  	_ =	swait.ge [sflag:s5], $0x400  }
0x1a5: {  	[sflag:s5] =	ssyncset.done $0x0  }
0x1a6: {  	[sflag:s5] =	ssyncadd.s32 $0xFFFFFC00  }
0x1a7: {  	_ =	swait.ge [sflag:s5], $0x400  }
0x1a8: {  	[sflag:s5] =	ssyncset.done $0x0  }
0x1a9: {  	[sflag:s5] =	ssyncadd.s32 $0xFFFFFC00  }
0x1aa: {  	_ =	swait.ge [sflag:s5], $0x400  }
0x1ab: {  	[sflag:s5] =	ssyncset.done $0x0  }
0x1ac: {  	[sflag:s5] =	ssyncadd.s32 $0xFFFFFC00  }
0x1ad: {  	_ =	swait.ge [sflag:s5], $0x400  }
0x1ae: {  	[sflag:s5] =	ssyncset.done $0x0  }
0x1af: {  	[sflag:s5] =	ssyncadd.s32 $0xFFFFFC00  }
0x1b0: {  	_ =	swait.ge [sflag:s5], $0x400  }
0x1b1: {  	[sflag:s5] =	ssyncset.done $0x0  }
0x1b2: {  	[sflag:s5] =	ssyncadd.s32 $0xFFFFFC00  }
0x1b3: {  	_ =	swait.ge [sflag:s5], $0x400  }
0x1b4: {  	[sflag:s5] =	ssyncset.done $0x0  }
0x1b5: {  	[sflag:s5] =	ssyncadd.s32 $0xFFFFFC00  }
0x1b6: {  	_ =	swait.ge [sflag:s5], $0x400  }
0x1b7: {  	[sflag:s5] =	ssyncset.done $0x0  }
0x1b8: {  	[sflag:s5] =	ssyncadd.s32 $0xFFFFFC00  }
0x1b9: {  	_ =	swait.ge [sflag:s5], $0x400  }
0x1ba: {  	[sflag:s5] =	ssyncset.done $0x0  }
0x1bb: {  	[sflag:s5] =	ssyncadd.s32 $0xFFFFFC00  }
0x1bc: {  	_ =	swait.ge [sflag:s5], $0x400  }
0x1bd: {  	[sflag:s5] =	ssyncset.done $0x0  }
0x1be: {  	[sflag:s5] =	ssyncadd.s32 $0xFFFFFC00  }
0x1bf: {  	p1 =	sne.s32 s7, $0x1;
	_ =	swait.ge [sflag:s5], $0x400  }
.Ltmp2:
0x1c0: {  	[sflag:s5] =	ssyncset.done $0x0;
	(pc) =	sbr.rel @p1 .LBB2_2-.Ltmp2, $4  }
0x1c1: {  	s31 =	rddreg [dreg:$0x4];
	[sflag:s5] =	ssyncadd.s32 $0xFFFFFC00  }
0x1c2: {  	[hbm4b:s31+s2] =	stream.linear.scatter [tilespmem:s4], [sflag:$0x2], $0x8000, $0x38;
	[tilespmem:$0x8080] =	vst v63  }
0x1c3: {  	_ =	swait.ge [sflag:s3], $0x8000  }
0x1c4: {  	s7 =	sadd.s32 $0xFFFFFFFF, s7;
	s8 =	rddreg [dreg:$0x3];
	[sflag:s3] =	ssyncset.done $0x0  }
.LBB2_3:
0x1c5: {  	[sflag:s3] =	ssyncadd.s32 @p0 $0xFFFF8000  }
0x1c6: {  	[tilespmem:s2], [sflag:$0x2] =	stream.linear.gather [hbm4b:s8+s2], $0x20, $0x38;
	[tilespmem:$0x8080] =	vst v63  }
0x1c7: {  	_ =	swait.ge [sflag:s3], $0x20  }
0x1c8: {  	[sflag:s3] =	ssyncset.done $0x0  }
0x1c9: {  	[sflag:s3] =	ssyncadd.s32 $0xFFFFFFE0  }
0x1ca: {  	v0 =	vld [tilespmem:$0x0];
	_ =	sdelay $0x4  }
0x1cb: {  	v0 =	vshrl.u32 v0, $0x3  }
0x1cc: {  	v0 =	vshll.u32 v0, $0x7  }
0x1cd: {  	(v2sf) =	vpush v0, $0x0  }
0x1ce: {  	(v2sf) =	vpush v0, $0x1  }
0x1cf: {  	(v2sf) =	vpush v0, $0x2;
	_ =	sdelay $0x1  }
0x1d0: {  	s8 =	rddreg [dreg:$0x11];
	(v2sf) =	vpush v0, $0x3  }
0x1d1: {  	s9 =	rddreg [dreg:$0x10]  }
0x1d2: {  	s10 =	rddreg [dreg:$0xf];
	(v2sf) =	vpush v0, $0x4  }
0x1d3: {  	s11 =	rddreg [dreg:$0xe]  }
0x1d4: {  	s12 =	rddreg [dreg:$0xd];
	(v2sf) =	vpush v0, $0x5  }
0x1d5: {  	s13 =	rddreg [dreg:$0xc]  }
0x1d6: {  	s14 =	rddreg [dreg:$0xb];
	(v2sf) =	vpush v0, $0x6  }
0x1d7: {  	s15 =	rddreg [dreg:$0xa]  }
0x1d8: {  	s16 =	rddreg [dreg:$0x9];
	(v2sf) =	vpush v0, $0x7  }
0x1d9: {  	s17 =	rddreg [dreg:$0x8]  }
0x1da: {  	s18 =	rddreg [dreg:$0x7];
	(v2sf) =	vpush v0, $0x8  }
0x1db: {  	s19 =	rddreg [dreg:$0x6];
	s20 =	spop (v2sf)  }
0x1dc: {  	s21 =	rddreg [dreg:$0x5];
	s20 =	sand.u32 $0x1FFFFF80, s20;
	s22 =	spop (v2sf);
	(v2sf) =	vpush v0, $0x9  }
0x1dd: {  	s20 =	sadd.s32 s6, s20;
	s22 =	sand.u32 $0x1FFFFF80, s22;
	s23 =	spop (v2sf)  }
0x1de: {  	(v2sf) =	vpush v0, $0xA;
	[tilespmem:s4], [sflag:$0x1] =	stream.linear.gather [hbm4b:s20+s2], $0x400, $0x38;
	[tilespmem:$0x8080] =	vst v63  }
0x1df: {  	s22 =	sadd.s32 s6, s22;
	s23 =	sand.u32 $0x1FFFFF80, s23;
	s24 =	spop (v2sf)  }
0x1e0: {  	(v2sf) =	vpush v0, $0xB;
	[tilespmem:s21], [sflag:$0x1] =	stream.linear.gather [hbm4b:s22+s2], $0x400, $0x38;
	[tilespmem:$0x8080] =	vst v63  }
0x1e1: {  	s25 =	sadd.s32 s6, s23;
	s26 =	sand.u32 $0x1FFFFF80, s24;
	s28 =	spop (v2sf)  }
0x1e2: {  	(v2sf) =	vpush v0, $0xC;
	[tilespmem:s19], [sflag:$0x1] =	stream.linear.gather [hbm4b:s25+s2], $0x400, $0x38;
	[tilespmem:$0x8080] =	vst v63  }
0x1e3: {  	s29 =	sadd.s32 s6, s26;
	s30 =	sand.u32 $0x1FFFFF80, s28;
	s31 =	spop (v2sf)  }
0x1e4: {  	(v2sf) =	vpush v0, $0xD;
	[tilespmem:s18], [sflag:$0x1] =	stream.linear.gather [hbm4b:s29+s2], $0x400, $0x38;
	[tilespmem:$0x8080] =	vst v63  }
0x1e5: {  	s22 =	sadd.s32 s6, s30;
	s23 =	sand.u32 $0x1FFFFF80, s31;
	s24 =	spop (v2sf)  }
0x1e6: {  	(v2sf) =	vpush v0, $0xE;
	[tilespmem:s17], [sflag:$0x1] =	stream.linear.gather [hbm4b:s22+s2], $0x400, $0x38;
	[tilespmem:$0x8080] =	vst v63  }
0x1e7: {  	s25 =	sadd.s32 s6, s23;
	s26 =	sand.u32 $0x1FFFFF80, s24;
	s28 =	spop (v2sf)  }
0x1e8: {  	(v2sf) =	vpush v0, $0xF;
	[tilespmem:s16], [sflag:$0x1] =	stream.linear.gather [hbm4b:s25+s2], $0x400, $0x38;
	[tilespmem:$0x8080] =	vst v63  }
0x1e9: {  	s30 =	sand.u32 $0x1FFFFF80, s28;
	s31 =	spop (v2sf);
	s29 =	sadd.s32 s6, s26  }
0x1ea: {  	[tilespmem:s15], [sflag:$0x1] =	stream.linear.gather [hbm4b:s29+s2], $0x400, $0x38;
	[tilespmem:$0x8080] =	vst v63  }
0x1eb: {  	s19 =	sadd.s32 s6, s30;
	s20 =	sand.u32 $0x1FFFFF80, s31;
	s21 =	spop (v2sf)  }
0x1ec: {  	[tilespmem:s14], [sflag:$0x1] =	stream.linear.gather [hbm4b:s19+s2], $0x400, $0x38;
	[tilespmem:$0x8080] =	vst v63  }
0x1ed: {  	s22 =	sadd.s32 s6, s20;
	s23 =	sand.u32 $0x1FFFFF80, s21;
	s24 =	spop (v2sf)  }
0x1ee: {  	[tilespmem:s13], [sflag:$0x1] =	stream.linear.gather [hbm4b:s22+s2], $0x400, $0x38;
	[tilespmem:$0x8080] =	vst v63  }
0x1ef: {  	s25 =	sadd.s32 s6, s23;
	s26 =	sand.u32 $0x1FFFFF80, s24;
	s28 =	spop (v2sf)  }
0x1f0: {  	[tilespmem:s12], [sflag:$0x1] =	stream.linear.gather [hbm4b:s25+s2], $0x400, $0x38;
	[tilespmem:$0x8080] =	vst v63  }
0x1f1: {  	s29 =	sadd.s32 s6, s26;
	s30 =	sand.u32 $0x1FFFFF80, s28;
	s31 =	spop (v2sf)  }
0x1f2: {  	[tilespmem:s11], [sflag:$0x1] =	stream.linear.gather [hbm4b:s29+s2], $0x400, $0x38;
	[tilespmem:$0x8080] =	vst v63  }
0x1f3: {  	s15 =	sadd.s32 s6, s30;
	s16 =	sand.u32 $0x1FFFFF80, s31;
	s17 =	spop (v2sf)  }
0x1f4: {  	[tilespmem:s10], [sflag:$0x1] =	stream.linear.gather [hbm4b:s15+s2], $0x400, $0x38;
	[tilespmem:$0x8080] =	vst v63  }
0x1f5: {  	s18 =	sadd.s32 s6, s16;
	s19 =	sand.u32 $0x1FFFFF80, s17;
	s20 =	spop (v2sf)  }
0x1f6: {  	[tilespmem:s9], [sflag:$0x1] =	stream.linear.gather [hbm4b:s18+s2], $0x400, $0x38;
	[tilespmem:$0x8080] =	vst v63  }
0x1f7: {  	s21 =	sadd.s32 s6, s19;
	s22 =	sand.u32 $0x1FFFFF80, s20;
	s23 =	spop (v2sf)  }
0x1f8: {  	[tilespmem:s8], [sflag:$0x1] =	stream.linear.gather [hbm4b:s21+s2], $0x400, $0x38;
	[tilespmem:$0x8080] =	vst v63  }
0x1f9: {  	s7 =	rddreg [dreg:$0x12];
	s24 =	sadd.s32 s6, s22;
	s25 =	sand.u32 $0x1FFFFF80, s23  }
0x1fa: {  	[tilespmem:s7], [sflag:$0x1] =	stream.linear.gather [hbm4b:s24+s2], $0x400, $0x38;
	[tilespmem:$0x8080] =	vst v63  }
0x1fb: {  	s26 =	rddreg [dreg:$0x13];
	s28 =	sadd.s32 s6, s25  }
0x1fc: {  	[tilespmem:s26], [sflag:$0x1] =	stream.linear.gather [hbm4b:s28+s2], $0x400, $0x38;
	[tilespmem:$0x8080] =	vst v63  }
0x1fd: {  	v63 =	vld [tilespmem:$0x10];
	_ =	sdelay $0x4  }
0x1fe: {  	v0 =	vshrl.u32 v63, $0x3  }
0x1ff: {  	v0 =	vshll.u32 v0, $0x7  }
0x200: {  	(v2sf) =	vpush v0, $0x0  }
0x201: {  	(v2sf) =	vpush v0, $0x1  }
0x202: {  	s14 =	rddreg [dreg:$0x1b];
	(v2sf) =	vpush v0, $0x2  }
0x203: {  	s13 =	rddreg [dreg:$0x1c]  }
0x204: {  	s31 =	rddreg [dreg:$0x15];
	(v2sf) =	vpush v0, $0x3  }
0x205: {  	s12 =	rddreg [dreg:$0x1d]  }
0x206: {  	s16 =	rddreg [dreg:$0x19];
	(v2sf) =	vpush v0, $0x4  }
0x207: {  	s17 =	rddreg [dreg:$0x18]  }
0x208: {  	s19 =	rddreg [dreg:$0x16];
	(v2sf) =	vpush v0, $0x5  }
0x209: {  	s11 =	rddreg [dreg:$0x1e]  }
0x20a: {  	s29 =	rddreg [dreg:$0x14];
	(v2sf) =	vpush v0, $0x6  }
0x20b: {  	s10 =	rddreg [dreg:$0x1f]  }
0x20c: {  	s15 =	rddreg [dreg:$0x1a];
	(v2sf) =	vpush v0, $0x7  }
0x20d: {  	s9 =	sld [smem:$0x7FA]  }
0x20e: {  	s18 =	rddreg [dreg:$0x17];
	(v2sf) =	vpush v0, $0x8  }
0x20f: {  	s8 =	sld [smem:$0x7FB];
	s30 =	spop (v2sf)  }
0x210: {  	s7 =	sld [smem:$0x7FC];
	(v2sf) =	vpush v0, $0x9;
	s21 =	sand.u32 $0x1FFFFF80, s30;
	s24 =	spop (v2sf)  }
0x211: {  	s21 =	sadd.s32 s6, s21;
	s23 =	sand.u32 $0x1FFFFF80, s24;
	s24 =	spop (v2sf)  }
0x212: {  	(v2sf) =	vpush v0, $0xA;
	[tilespmem:s29], [sflag:$0x1] =	stream.linear.gather [hbm4b:s21+s2], $0x400, $0x38;
	[tilespmem:$0x8080] =	vst v63  }
0x213: {  	s25 =	sadd.s32 s6, s23;
	s26 =	sand.u32 $0x1FFFFF80, s24;
	s28 =	spop (v2sf)  }
0x214: {  	(v2sf) =	vpush v0, $0xB;
	[tilespmem:s31], [sflag:$0x1] =	stream.linear.gather [hbm4b:s25+s2], $0x400, $0x38;
	[tilespmem:$0x8080] =	vst v63  }
0x215: {  	s29 =	sadd.s32 s6, s26;
	s30 =	sand.u32 $0x1FFFFF80, s28;
	s31 =	spop (v2sf)  }
0x216: {  	(v2sf) =	vpush v0, $0xC;
	[tilespmem:s19], [sflag:$0x1] =	stream.linear.gather [hbm4b:s29+s2], $0x400, $0x38;
	[tilespmem:$0x8080] =	vst v63  }
0x217: {  	s21 =	sadd.s32 s6, s30;
	s23 =	sand.u32 $0x1FFFFF80, s31;
	s24 =	spop (v2sf)  }
0x218: {  	(v2sf) =	vpush v0, $0xD;
	[tilespmem:s18], [sflag:$0x1] =	stream.linear.gather [hbm4b:s21+s2], $0x400, $0x38;
	[tilespmem:$0x8080] =	vst v63  }
0x219: {  	s25 =	sadd.s32 s6, s23;
	s26 =	sand.u32 $0x1FFFFF80, s24;
	s28 =	spop (v2sf)  }
0x21a: {  	(v2sf) =	vpush v0, $0xE;
	[tilespmem:s17], [sflag:$0x1] =	stream.linear.gather [hbm4b:s25+s2], $0x400, $0x38;
	[tilespmem:$0x8080] =	vst v63  }
0x21b: {  	s29 =	sadd.s32 s6, s26;
	s30 =	sand.u32 $0x1FFFFF80, s28;
	s31 =	spop (v2sf)  }
0x21c: {  	(v2sf) =	vpush v0, $0xF;
	[tilespmem:s16], [sflag:$0x1] =	stream.linear.gather [hbm4b:s29+s2], $0x400, $0x38;
	[tilespmem:$0x8080] =	vst v63  }
0x21d: {  	s18 =	sadd.s32 s6, s30;
	s20 =	sand.u32 $0x1FFFFF80, s31;
	s21 =	spop (v2sf)  }
0x21e: {  	[tilespmem:s15], [sflag:$0x1] =	stream.linear.gather [hbm4b:s18+s2], $0x400, $0x38;
	[tilespmem:$0x8080] =	vst v63  }
0x21f: {  	s22 =	sadd.s32 s6, s20;
	s23 =	sand.u32 $0x1FFFFF80, s21;
	s24 =	spop (v2sf)  }
0x220: {  	[tilespmem:s14], [sflag:$0x1] =	stream.linear.gather [hbm4b:s22+s2], $0x400, $0x38;
	[tilespmem:$0x8080] =	vst v63  }
0x221: {  	s25 =	sadd.s32 s6, s23;
	s26 =	sand.u32 $0x1FFFFF80, s24;
	s28 =	spop (v2sf)  }
0x222: {  	[tilespmem:s13], [sflag:$0x1] =	stream.linear.gather [hbm4b:s25+s2], $0x400, $0x38;
	[tilespmem:$0x8080] =	vst v63  }
0x223: {  	s29 =	sadd.s32 s6, s26;
	s30 =	sand.u32 $0x1FFFFF80, s28;
	s31 =	spop (v2sf)  }
0x224: {  	[tilespmem:s12], [sflag:$0x1] =	stream.linear.gather [hbm4b:s29+s2], $0x400, $0x38;
	[tilespmem:$0x8080] =	vst v63  }
0x225: {  	s14 =	sadd.s32 s6, s30;
	s15 =	sand.u32 $0x1FFFFF80, s31;
	s16 =	spop (v2sf)  }
0x226: {  	[tilespmem:s11], [sflag:$0x1] =	stream.linear.gather [hbm4b:s14+s2], $0x400, $0x38;
	[tilespmem:$0x8080] =	vst v63  }
0x227: {  	s17 =	sadd.s32 s6, s15;
	s18 =	sand.u32 $0x1FFFFF80, s16;
	s19 =	spop (v2sf)  }
0x228: {  	[tilespmem:s10], [sflag:$0x1] =	stream.linear.gather [hbm4b:s17+s2], $0x400, $0x38;
	[tilespmem:$0x8080] =	vst v63  }
0x229: {  	s20 =	sadd.s32 s6, s18;
	s21 =	sand.u32 $0x1FFFFF80, s19;
	s22 =	spop (v2sf)  }
0x22a: {  	[tilespmem:s9], [sflag:$0x1] =	stream.linear.gather [hbm4b:s20+s2], $0x400, $0x38;
	[tilespmem:$0x8080] =	vst v63  }
0x22b: {  	s23 =	sadd.s32 s6, s21;
	s24 =	sand.u32 $0x1FFFFF80, s22;
	s25 =	spop (v2sf)  }
0x22c: {  	[tilespmem:s8], [sflag:$0x1] =	stream.linear.gather [hbm4b:s23+s2], $0x400, $0x38;
	[tilespmem:$0x8080] =	vst v63  }
0x22d: {  	s29 =	sld [smem:$0x7FD];
	s26 =	sadd.s32 s6, s24;
	s28 =	sand.u32 $0x1FFFFF80, s25  }
0x22e: {  	[tilespmem:s7], [sflag:$0x1] =	stream.linear.gather [hbm4b:s26+s2], $0x400, $0x38;
	[tilespmem:$0x8080] =	vst v63  }
0x22f: {  	s30 =	sadd.s32 s6, s28  }
0x230: {  	[tilespmem:s29], [sflag:$0x1] =	stream.linear.gather [hbm4b:s30+s2], $0x400, $0x38;
	[tilespmem:$0x8080] =	vst v63  }
0x231: {  	_ =	swait.ge [sflag:s5], $0x400  }
0x232: {  	[sflag:s5] =	ssyncset.done $0x0  }
0x233: {  	[sflag:s5] =	ssyncadd.s32 $0xFFFFFC00  }
0x234: {  	_ =	swait.ge [sflag:s5], $0x400  }
0x235: {  	[sflag:s5] =	ssyncset.done $0x0  }
0x236: {  	[sflag:s5] =	ssyncadd.s32 $0xFFFFFC00  }
0x237: {  	_ =	swait.ge [sflag:s5], $0x400  }
0x238: {  	[sflag:s5] =	ssyncset.done $0x0  }
0x239: {  	[sflag:s5] =	ssyncadd.s32 $0xFFFFFC00  }
0x23a: {  	_ =	swait.ge [sflag:s5], $0x400  }
0x23b: {  	[sflag:s5] =	ssyncset.done $0x0  }
0x23c: {  	[sflag:s5] =	ssyncadd.s32 $0xFFFFFC00  }
0x23d: {  	_ =	swait.ge [sflag:s5], $0x400  }
0x23e: {  	[sflag:s5] =	ssyncset.done $0x0  }
0x23f: {  	[sflag:s5] =	ssyncadd.s32 $0xFFFFFC00  }
0x240: {  	_ =	swait.ge [sflag:s5], $0x400  }
0x241: {  	[sflag:s5] =	ssyncset.done $0x0  }
0x242: {  	[sflag:s5] =	ssyncadd.s32 $0xFFFFFC00  }
0x243: {  	_ =	swait.ge [sflag:s5], $0x400  }
0x244: {  	[sflag:s5] =	ssyncset.done $0x0  }
0x245: {  	[sflag:s5] =	ssyncadd.s32 $0xFFFFFC00  }
0x246: {  	_ =	swait.ge [sflag:s5], $0x400  }
0x247: {  	[sflag:s5] =	ssyncset.done $0x0  }
0x248: {  	[sflag:s5] =	ssyncadd.s32 $0xFFFFFC00  }
0x249: {  	_ =	swait.ge [sflag:s5], $0x400  }
0x24a: {  	[sflag:s5] =	ssyncset.done $0x0  }
0x24b: {  	[sflag:s5] =	ssyncadd.s32 $0xFFFFFC00  }
0x24c: {  	_ =	swait.ge [sflag:s5], $0x400  }
0x24d: {  	[sflag:s5] =	ssyncset.done $0x0  }
0x24e: {  	[sflag:s5] =	ssyncadd.s32 $0xFFFFFC00  }
0x24f: {  	_ =	swait.ge [sflag:s5], $0x400  }
0x250: {  	[sflag:s5] =	ssyncset.done $0x0  }
0x251: {  	[sflag:s5] =	ssyncadd.s32 $0xFFFFFC00  }
0x252: {  	_ =	swait.ge [sflag:s5], $0x400  }
0x253: {  	[sflag:s5] =	ssyncset.done $0x0  }
0x254: {  	[sflag:s5] =	ssyncadd.s32 $0xFFFFFC00  }
0x255: {  	_ =	swait.ge [sflag:s5], $0x400  }
0x256: {  	[sflag:s5] =	ssyncset.done $0x0  }
0x257: {  	[sflag:s5] =	ssyncadd.s32 $0xFFFFFC00  }
0x258: {  	_ =	swait.ge [sflag:s5], $0x400  }
0x259: {  	[sflag:s5] =	ssyncset.done $0x0  }
0x25a: {  	[sflag:s5] =	ssyncadd.s32 $0xFFFFFC00  }
0x25b: {  	_ =	swait.ge [sflag:s5], $0x400  }
0x25c: {  	[sflag:s5] =	ssyncset.done $0x0  }
0x25d: {  	[sflag:s5] =	ssyncadd.s32 $0xFFFFFC00  }
0x25e: {  	_ =	swait.ge [sflag:s5], $0x400  }
0x25f: {  	[sflag:s5] =	ssyncset.done $0x0  }
0x260: {  	[sflag:s5] =	ssyncadd.s32 $0xFFFFFC00  }
0x261: {  	_ =	swait.ge [sflag:s5], $0x400  }
0x262: {  	[sflag:s5] =	ssyncset.done $0x0  }
0x263: {  	[sflag:s5] =	ssyncadd.s32 $0xFFFFFC00  }
0x264: {  	_ =	swait.ge [sflag:s5], $0x400  }
0x265: {  	[sflag:s5] =	ssyncset.done $0x0  }
0x266: {  	[sflag:s5] =	ssyncadd.s32 $0xFFFFFC00  }
0x267: {  	_ =	swait.ge [sflag:s5], $0x400  }
0x268: {  	[sflag:s5] =	ssyncset.done $0x0  }
0x269: {  	[sflag:s5] =	ssyncadd.s32 $0xFFFFFC00  }
0x26a: {  	_ =	swait.ge [sflag:s5], $0x400  }
0x26b: {  	[sflag:s5] =	ssyncset.done $0x0  }
0x26c: {  	[sflag:s5] =	ssyncadd.s32 $0xFFFFFC00  }
0x26d: {  	_ =	swait.ge [sflag:s5], $0x400  }
0x26e: {  	[sflag:s5] =	ssyncset.done $0x0  }
0x26f: {  	[sflag:s5] =	ssyncadd.s32 $0xFFFFFC00  }
0x270: {  	_ =	swait.ge [sflag:s5], $0x400  }
0x271: {  	[sflag:s5] =	ssyncset.done $0x0  }
0x272: {  	[sflag:s5] =	ssyncadd.s32 $0xFFFFFC00  }
0x273: {  	_ =	swait.ge [sflag:s5], $0x400  }
0x274: {  	[sflag:s5] =	ssyncset.done $0x0  }
0x275: {  	[sflag:s5] =	ssyncadd.s32 $0xFFFFFC00  }
0x276: {  	_ =	swait.ge [sflag:s5], $0x400  }
0x277: {  	[sflag:s5] =	ssyncset.done $0x0  }
0x278: {  	[sflag:s5] =	ssyncadd.s32 $0xFFFFFC00  }
0x279: {  	_ =	swait.ge [sflag:s5], $0x400  }
0x27a: {  	[sflag:s5] =	ssyncset.done $0x0  }
0x27b: {  	[sflag:s5] =	ssyncadd.s32 $0xFFFFFC00  }
0x27c: {  	_ =	swait.ge [sflag:s5], $0x400  }
0x27d: {  	[sflag:s5] =	ssyncset.done $0x0  }
0x27e: {  	[sflag:s5] =	ssyncadd.s32 $0xFFFFFC00  }
0x27f: {  	_ =	swait.ge [sflag:s5], $0x400  }
0x280: {  	[sflag:s5] =	ssyncset.done $0x0  }
0x281: {  	[sflag:s5] =	ssyncadd.s32 $0xFFFFFC00  }
0x282: {  	_ =	swait.ge [sflag:s5], $0x400  }
0x283: {  	[sflag:s5] =	ssyncset.done $0x0  }
0x284: {  	[sflag:s5] =	ssyncadd.s32 $0xFFFFFC00  }
0x285: {  	_ =	swait.ge [sflag:s5], $0x400  }
0x286: {  	[sflag:s5] =	ssyncset.done $0x0  }
0x287: {  	[sflag:s5] =	ssyncadd.s32 $0xFFFFFC00  }
0x288: {  	_ =	swait.ge [sflag:s5], $0x400  }
0x289: {  	[sflag:s5] =	ssyncset.done $0x0  }
0x28a: {  	[sflag:s5] =	ssyncadd.s32 $0xFFFFFC00  }
0x28b: {  	_ =	swait.ge [sflag:s5], $0x400  }
0x28c: {  	[sflag:s5] =	ssyncset.done $0x0  }
0x28d: {  	[sflag:s5] =	ssyncadd.s32 $0xFFFFFC00  }
0x28e: {  	_ =	swait.ge [sflag:s5], $0x400  }
0x28f: {  	[sflag:s5] =	ssyncset.done $0x0  }
0x290: {  	s31 =	rddreg [dreg:$0x4];
	[sflag:s5] =	ssyncadd.s32 $0xFFFFFC00  }
0x291: {  	[hbm4b:s31+s2] =	stream.linear.scatter [tilespmem:s4], [sflag:$0x2], $0x8000, $0x38;
	[tilespmem:$0x8080] =	vst v63  }
0x292: {  	_ =	swait.ge [sflag:s3], $0x8000  }
0x293: {  	[sflag:s3] =	ssyncset.done $0x0  }
0x294: {  	[sflag:s3] =	ssyncadd.s32 $0xFFFF8000  }
0x295: {  	_ =	sfence.sel $0x180000  }
0x296: {  	[bflag:$0x0] =	sbarrier.arrive $0xFFFF  }
0x297: {  	p0 =	sne.s32 s0, $0x0;
	_ =	strace $0x90000047  }
0x298: {  	s0 =	sadd.s32 @!p0 $0x100000, s1;
	[bflag:$0x2] =	sbarrier.arrive $0xFFFF  }
0x299: {  	[sflag:s0] =	ssyncadd.tile.s32 @!p0 $0x1;
	_ =	shalt  }
.Lfunc_end2:
_tile_overlayer_lowered:
.L_overlay_start_2:
0x29a: {  	(tag) =	ssettag $0x2  }
0x29b: {  	s0 =	rddreg [dreg:$0x0];
	s2 =	stileid.u32  }
0x29c: {  	s1 =	rddreg [dreg:$0x1];
	p0 =	sne.s32 s2, $0x0  }
0x29d: {  	s3 =	rddreg [dreg:$0x2];
	[bflag:$0x3] =	sbarrier.arrive $0xFFFF;
	s2 =	simm.s32 @!p0 $0x1C02  }
0x29e: {  	[timem:s3], [sflag:s2] =	dma.local @!p0 [hbm:s0], s1  }
0x29f: {  	s0 =	simm.s32 @!p0 $0x2  }
0x2a0: {  	_ =	swait.ge @!p0 [sflag:s0], s1  }
0x2a1: {  	s1 =	ssub.s32 @!p0 $0x0, s1;
	[sflag:s0] =	ssyncset.done @!p0 $0x0  }
0x2a2: {  	[sflag:s0] =	ssyncadd.s32 @!p0 s1  }
0x2a3: {  	[bflag:$0x3] =	sbarrier.arrive $0xFFFF  }
0x2a4: {  	_ =	shalt  }

</sc_bundles>
